<compile_context>
chip_gen: v7x
topology: tpu7x:2x2x1
jax: 0.10.2.dev20260603
libtpu: 0.0.44.dev20260713+nightly
codegen_flags: <defaults>
</compile_context>

<pallas_src>
import functools

import jax
import jax.numpy as jnp
import numpy as np
from jax import lax
from jax.experimental import pallas as pl
from jax.experimental.pallas import tpu as pltpu
from jax.experimental.pallas import tpu_sc as plsc

N = 10000
E = 320000
NC, NS = 2, 16
NW = NC * NS
EPW = E // NW
CH = 80
NCHUNK = EPW // CH
ZPT = 624
ZCH = 16

S0 = 128
D0 = 128
A0 = 80
S1 = 128
D1 = 128
A1 = 32

PERM = np.array([8 * (c % 8) + c // 8 for c in range(64)])

_MESH = plsc.VectorSubcoreMesh(core_axis_name="c", subcore_axis_name="s")


def _zero_shared(acc_sh, zbuf, s, width):
    zv = jnp.zeros((16,), jnp.float32)

    def zrow(r, _):
        for k in range(width // 16):
            zbuf[r, pl.ds(k * 16, 16)] = zv
        return 0

    lax.fori_loop(0, ZCH, zrow, 0)

    def zcopy(b, _):
        pltpu.sync_copy(zbuf, acc_sh.at[pl.ds(s * ZPT + b * ZCH, ZCH), :])
        return 0

    lax.fori_loop(0, ZPT // ZCH, zcopy, 0)

    @pl.when(s < 2)
    def _():
        pltpu.sync_copy(zbuf.at[pl.ds(0, 8), :],
                        acc_sh.at[pl.ds(NS * ZPT + s * 8, 8), :])


def _edge_kernel(layer, src_hbm, dst_hbm, ts_hbm, td_hbm, out_hbm,
                 sv0, dv0, rs0, rd0, contrib, acc_sh, zbuf, ss0, sd0):
    c = lax.axis_index("c")
    s = lax.axis_index("s")
    wid = s * NC + c
    width = A0 if layer == 0 else A1

    _zero_shared(acc_sh, zbuf, s, width)
    plsc.subcore_barrier()

    ebase = wid * EPW

    def isl(g):
        return pl.ds(ebase + g * CH, CH)

    if layer == 0:
        def edge_fn(rs, rd):
            def edge(e, _):
                ves = rs[e, pl.ds(64, 16)]
                ved = rd[e, pl.ds(0, 16)]
                sm = ves + ved
                vw = jnp.exp(jnp.where(sm > 0, sm, 0.2 * sm))
                for k in range(4):
                    vh = rs[e, pl.ds(k * 16, 16)]
                    contrib[e, pl.ds(k * 16, 16)] = vh * vw
                contrib[e, pl.ds(64, 16)] = vw
                return 0
            return edge
    else:
        def edge_fn(rs, rd):
            def edge(e, _):
                ves = rs[e, pl.ds(16, 16)]
                ved = rd[e, pl.ds(0, 16)]
                sm = ves + ved
                vw = jnp.exp(jnp.where(sm > 0, sm, 0.2 * sm))
                contrib[e, pl.ds(0, 16)] = rs[e, pl.ds(0, 16)] * vw
                contrib[e, pl.ds(16, 16)] = vw
                return 0
            return edge

    def chunk(g, _):
        pltpu.sync_copy(src_hbm.at[isl(g)], sv0)
        pltpu.sync_copy(dst_hbm.at[isl(g)], dv0)
        cp1 = pltpu.async_copy(ts_hbm.at[sv0], rs0, ss0)
        cp2 = pltpu.async_copy(td_hbm.at[dv0], rd0, sd0)
        cp1.wait()
        cp2.wait()
        lax.fori_loop(0, CH, edge_fn(rs0, rd0), 0)
        pltpu.sync_copy(contrib, acc_sh.at[dv0], add=True)
        return 0

    lax.fori_loop(0, NCHUNK, chunk, 0)

    plsc.subcore_barrier()
    for b in range(3):
        r0 = s * ZPT + b * 208
        pltpu.sync_copy(acc_sh.at[pl.ds(r0, 208), :],
                        out_hbm.at[c, pl.ds(r0, 208), :])

    @pl.when(s < 2)
    def _():
        r0 = NS * ZPT + s * 8
        pltpu.sync_copy(acc_sh.at[pl.ds(r0, 8), :],
                        out_hbm.at[c, pl.ds(r0, 8), :])


def _make_edge_pass(layer, sw, dw, aw):
    return functools.partial(
        pl.kernel,
        out_type=jax.ShapeDtypeStruct((NC, N, aw), jnp.float32),
        mesh=_MESH,
        scratch_types=[
            pltpu.VMEM((CH,), jnp.int32),
            pltpu.VMEM((CH,), jnp.int32),
            pltpu.VMEM((CH, sw), jnp.float32),
            pltpu.VMEM((CH, dw), jnp.float32),
            pltpu.VMEM((CH, aw), jnp.float32),
            pltpu.VMEM_SHARED((N, aw), jnp.float32),
            pltpu.VMEM((ZCH, aw), jnp.float32),
            pltpu.SemaphoreType.DMA,
            pltpu.SemaphoreType.DMA,
        ],
        compiler_params=pltpu.CompilerParams(needs_layout_passes=False),
    )(functools.partial(_edge_kernel, layer))


_edge_pass0 = _make_edge_pass(0, S0, D0, A0)
_edge_pass1 = _make_edge_pass(1, S1, D1, A1)



_BLK = 1000
_GRID = N // _BLK


def _prep1_body(x_ref, w1_ref, a1s_ref, a1d_ref, ts_ref, td_ref):
    h = jnp.dot(x_ref[...], w1_ref[...], preferred_element_type=jnp.float32)
    es = jnp.dot(h, a1s_ref[...], preferred_element_type=jnp.float32)
    ed = jnp.dot(h, a1d_ref[...], preferred_element_type=jnp.float32)
    ts_ref[...] = jnp.concatenate(
        [h, es, es, jnp.zeros((_BLK, 48), jnp.float32)], axis=1)
    td_ref[...] = jnp.concatenate(
        [ed, ed, jnp.zeros((_BLK, 112), jnp.float32)], axis=1)


def _prep1(x, W1p, A1s, A1d):
    return pl.pallas_call(
        _prep1_body,
        grid=(_GRID,),
        in_specs=[
            pl.BlockSpec((_BLK, 128), lambda i: (i, 0)),
            pl.BlockSpec((128, 64), lambda i: (0, 0)),
            pl.BlockSpec((64, 8), lambda i: (0, 0)),
            pl.BlockSpec((64, 8), lambda i: (0, 0)),
        ],
        out_specs=[
            pl.BlockSpec((_BLK, S0), lambda i: (i, 0)),
            pl.BlockSpec((_BLK, D0), lambda i: (i, 0)),
        ],
        out_shape=[
            jax.ShapeDtypeStruct((N, S0), jnp.float32),
            jax.ShapeDtypeStruct((N, D0), jnp.float32),
        ],
    )(x, W1p, A1s, A1d)


def _prep2_body(acca_ref, accb_ref, b1_ref, w2_ref, a2s_ref, a2d_ref,
                bexp_ref, ts_ref, td_ref):
    a = acca_ref[...] + accb_ref[...]
    wh = a[:, 0:64]
    w = a[:, 64:72]
    denom = jnp.dot(w, bexp_ref[...], preferred_element_type=jnp.float32)
    v = wh / (denom + 1e-9) + b1_ref[...]
    h1 = jnp.where(v > 0, v, jnp.exp(jnp.minimum(v, 0.0)) - 1.0)
    feat = jnp.dot(h1, w2_ref[...], preferred_element_type=jnp.float32)
    es2 = jnp.sum(feat * a2s_ref[...], axis=1, keepdims=True)
    ed2 = jnp.sum(feat * a2d_ref[...], axis=1, keepdims=True)
    es2b = jnp.broadcast_to(es2, (_BLK, 16))
    ed2b = jnp.broadcast_to(ed2, (_BLK, 16))
    ts_ref[...] = jnp.concatenate(
        [feat, es2b, jnp.zeros((_BLK, 96), jnp.float32)], axis=1)
    td_ref[...] = jnp.concatenate(
        [ed2b, jnp.zeros((_BLK, 112), jnp.float32)], axis=1)


def _prep2(acca, accb, b1p, W2p, a_src2, a_dst2, Bexp):
    return pl.pallas_call(
        _prep2_body,
        grid=(_GRID,),
        in_specs=[
            pl.BlockSpec((_BLK, A0), lambda i: (i, 0)),
            pl.BlockSpec((_BLK, A0), lambda i: (i, 0)),
            pl.BlockSpec((1, 64), lambda i: (0, 0)),
            pl.BlockSpec((64, 16), lambda i: (0, 0)),
            pl.BlockSpec((1, 16), lambda i: (0, 0)),
            pl.BlockSpec((1, 16), lambda i: (0, 0)),
            pl.BlockSpec((8, 64), lambda i: (0, 0)),
        ],
        out_specs=[
            pl.BlockSpec((_BLK, S1), lambda i: (i, 0)),
            pl.BlockSpec((_BLK, D1), lambda i: (i, 0)),
        ],
        out_shape=[
            jax.ShapeDtypeStruct((N, S1), jnp.float32),
            jax.ShapeDtypeStruct((N, D1), jnp.float32),
        ],
    )(acca, accb, b1p, W2p, a_src2, a_dst2, Bexp)


def _final_body(acca_ref, accb_ref, b2_ref, out_ref):
    a = acca_ref[...] + accb_ref[...]
    wh = a[:, 0:16]
    w = a[:, 16:17]
    h2 = wh / (w + 1e-9) + b2_ref[...]
    z = h2 - jnp.max(h2, axis=1, keepdims=True)
    out_ref[...] = z - jnp.log(jnp.sum(jnp.exp(z), axis=1, keepdims=True))


def _final(acca, accb, b2):
    return pl.pallas_call(
        _final_body,
        grid=(_GRID,),
        in_specs=[
            pl.BlockSpec((_BLK, A1), lambda i: (i, 0)),
            pl.BlockSpec((_BLK, A1), lambda i: (i, 0)),
            pl.BlockSpec((1, 16), lambda i: (0, 0)),
        ],
        out_specs=pl.BlockSpec((_BLK, 16), lambda i: (i, 0)),
        out_shape=jax.ShapeDtypeStruct((N, 16), jnp.float32),
    )(acca, accb, b2)


def kernel(x, edge_index, W1, a_src1, a_dst1, b1, W2, a_src2, a_dst2, b2):
    src = edge_index[0]
    dst = edge_index[1]
    eye8 = jnp.eye(8, dtype=jnp.float32)
    A1s = (a_src1[:, :, None] * eye8[:, None, :]).reshape(64, 8)[PERM, :]
    A1d = (a_dst1[:, :, None] * eye8[:, None, :]).reshape(64, 8)[PERM, :]
    Bexp = jnp.concatenate([eye8] * 8, axis=1)
    W1p = W1[:, PERM]
    W2p = W2[PERM, :]
    b1p = b1[PERM]

    ts0, td0 = _prep1(x, W1p, A1s, A1d)
    acc0 = _edge_pass0(src, dst, ts0, td0)
    ts1, td1 = _prep2(acc0[0], acc0[1], b1p.reshape(1, 64), W2p,
                      a_src2.reshape(1, 16), a_dst2.reshape(1, 16), Bexp)
    acc1 = _edge_pass1(src, dst, ts1, td1)
    return _final(acc1[0], acc1[1], b2.reshape(1, 16))

# --- scband reference (transcript-rebuilt; emitter-appended) ---
"""Pipeline reference for scband-gat-34179349742033 (READ-ONLY COPY).

The authoritative reference and input builder live on the scoring server;
editing this copy changes nothing except your own understanding.
"""

import jax, jax.numpy as jnp
import numpy as np

N_NODES = 10000
N_EDGES = 320000
IN_SIZE = 128
HID = 8
OUT_SIZE = 16
HEADS = [8, 1]


def _glorot(key, shape):
    fan_in, fan_out = shape[0], shape[-1]
    lim = jnp.sqrt(6.0 / (fan_in + fan_out))
    return jax.random.uniform(key, shape, jnp.float32, -lim, lim)


def setup_inputs(seed: int = 0) -> dict:
    key = jax.random.key(seed)
    ks = jax.random.split(key, 12)
    x = jax.random.normal(ks[0], (N_NODES, IN_SIZE), dtype=jnp.float32)
    edge_index = jax.random.randint(ks[1], (2, N_EDGES), 0, N_NODES, dtype=jnp.int64 if jax.config.jax_enable_x64 else jnp.int32).astype(jnp.int32)
    # Layer 0: in=128 -> heads=8, out=8
    W1 = _glorot(ks[2], (IN_SIZE, HEADS[0] * HID))
    a_src1 = _glorot(ks[3], (HEADS[0], HID))
    a_dst1 = _glorot(ks[4], (HEADS[0], HID))
    b1 = jnp.zeros((HEADS[0] * HID,), jnp.float32)
    # Layer 1: in=64 -> heads=1, out=16
    W2 = _glorot(ks[5], (HEADS[0] * HID, HEADS[1] * OUT_SIZE))
    a_src2 = _glorot(ks[6], (HEADS[1], OUT_SIZE))
    a_dst2 = _glorot(ks[7], (HEADS[1], OUT_SIZE))
    b2 = jnp.zeros((HEADS[1] * OUT_SIZE,), jnp.float32)
    return {"x": x, "edge_index": edge_index, "W1": W1, "a_src1": a_src1, "a_dst1": a_dst1, "b1": b1,
            "W2": W2, "a_src2": a_src2, "a_dst2": a_dst2, "b2": b2}


def _gat_conv(x, src, dst, W, a_src, a_dst, bias, activation):
    N = x.shape[0]
    H, F_out = a_src.shape
    h = (x @ W).reshape(N, H, F_out)
    es = jnp.sum(h * a_src[None, :, :], axis=-1)  # [N, H]
    ed = jnp.sum(h * a_dst[None, :, :], axis=-1)  # [N, H]
    e = jax.nn.leaky_relu(es[src] + ed[dst], negative_slope=0.2)  # [E, H]
    m = jax.ops.segment_max(e, dst, num_segments=N)  # [N, H]
    m = jnp.where(jnp.isfinite(m), m, 0.0)
    w = jnp.exp(e - m[dst])  # [E, H]
    denom = jax.ops.segment_sum(w, dst, num_segments=N)  # [N, H]
    alpha = w / (denom[dst] + 1e-9)  # [E, H]
    out = jax.ops.segment_sum(h[src] * alpha[:, :, None], dst, num_segments=N)  # [N, H, F_out]
    out = out + bias.reshape(1, H, F_out)
    if activation is not None:
        out = activation(out)
    return out


def reference(x, edge_index, W1, a_src1, a_dst1, b1, W2, a_src2, a_dst2, b2):
    src = edge_index[0]
    dst = edge_index[1]
    N = x.shape[0]
    h = x
    # layer 0 (flatten heads, elu activation)
    h_res = h
    h1 = _gat_conv(h, src, dst, W1, a_src1, a_dst1, b1, jax.nn.elu)
    h1 = h1.reshape(N, -1)
    if h1.shape == h_res.shape:
        h1 = h1 + h_res
    # layer 1 (last: mean over heads, no activation)
    h_res = h1
    h2 = _gat_conv(h1, src, dst, W2, a_src2, a_dst2, b2, None)
    h2 = h2.mean(axis=1)
    if h2.shape == h_res.shape:
        h2 = h2 + h_res
    return jax.nn.log_softmax(h2, axis=1)

if __name__ == "__main__":
    import jax
    _d = setup_inputs()
    print(jax.jit(kernel)(*tuple(_d.values())))

</pallas_src>

<mosaic_0001>
#map = affine_map<(d0, d1) -> (0)>
#map1 = affine_map<(d0, d1) -> (0, 0)>
#map2 = affine_map<(d0, d1) -> (0, 0, 0)>
module attributes {stable_mosaic.version = 14 : i64} {
  func.func @_edge_kernel(%arg0: i32, %arg1: i32, %arg2: memref<320000xi32, #tpu.memory_space<hbm>>, %arg3: memref<320000xi32, #tpu.memory_space<hbm>>, %arg4: memref<10000x128xf32, #tpu.memory_space<hbm>>, %arg5: memref<10000x128xf32, #tpu.memory_space<hbm>>, %arg6: memref<2x10000x80xf32, #tpu.memory_space<hbm>>, %arg7: memref<80xi32, #tpu.memory_space<vmem>>, %arg8: memref<80xi32, #tpu.memory_space<vmem>>, %arg9: memref<80x128xf32, #tpu.memory_space<vmem>>, %arg10: memref<80x128xf32, #tpu.memory_space<vmem>>, %arg11: memref<80x80xf32, #tpu.memory_space<vmem>>, %arg12: memref<10000x80xf32, #tpu.memory_space<vmem_shared>>, %arg13: memref<16x80xf32, #tpu.memory_space<vmem>>, %arg14: memref<!tpu.dma_semaphore, #tpu.memory_space<semaphore_mem>>, %arg15: memref<!tpu.dma_semaphore, #tpu.memory_space<semaphore_mem>>) attributes {dimension_semantics = [#tpu.dimension_semantics<core_parallel>, #tpu.dimension_semantics<subcore_parallel>], iteration_bounds = array<i64: 2, 16>, scalar_prefetch = 0 : i64, scratch_operands = 9 : i64, tpu.core_type = #tpu.core_type<sc_vector_subcore>, window_params = [{transform_indices = #map}, {transform_indices = #map}, {transform_indices = #map1}, {transform_indices = #map1}, {transform_indices = #map2}]} {
    %mul3A = arith.constant 2 : i32
    %mul3A_0 = arith.muli %arg1, %mul3A : i32
    %add3A = arith.addi %mul3A_0, %arg0 : i32
    %broadcast_in_dim3A = arith.constant 0.000000e+00 : f32
    %broadcast_in_dim3A_1 = vector.broadcast %broadcast_in_dim3A : f32 to vector<16xf32>
    %scan3A = arith.constant 0 : i32
    %scan3A_2 = arith.constant 0 : i32
    %scan3A_3 = arith.constant 16 : i32
    %scan3A_4 = arith.addi %scan3A_2, %scan3A_3 : i32
    %scan3A_5 = arith.constant 1 : i32
    %scan3A_6 = scf.for %scan3A_44 = %scan3A_2 to %scan3A_4 step %scan3A_5 iter_args(%scan3A_45 = %scan3A) -> (i32)  : i32 {
      %swap3A = arith.index_cast %scan3A_44 : i32 to index
      %swap3A_46 = arith.constant 0 : index
      %swap3A_47 = tpu.vector_load %arg13[%swap3A, %swap3A_46] {strides = array<i32>} : memref<16x80xf32, #tpu.memory_space<vmem>>, vector<16xf32>,
      tpu.vector_store %arg13[%swap3A, %swap3A_46], %broadcast_in_dim3A_1 {strides = array<i32>} : memref<16x80xf32, #tpu.memory_space<vmem>>, vector<16xf32>,
      %swap3A_48 = arith.index_cast %scan3A_44 : i32 to index
      %swap3A_49 = arith.constant 16 : index
      %swap3A_50 = tpu.vector_load %arg13[%swap3A_48, %swap3A_49] {strides = array<i32>} : memref<16x80xf32, #tpu.memory_space<vmem>>, vector<16xf32>,
      tpu.vector_store %arg13[%swap3A_48, %swap3A_49], %broadcast_in_dim3A_1 {strides = array<i32>} : memref<16x80xf32, #tpu.memory_space<vmem>>, vector<16xf32>,
      %swap3A_51 = arith.index_cast %scan3A_44 : i32 to index
      %swap3A_52 = arith.constant 32 : index
      %swap3A_53 = tpu.vector_load %arg13[%swap3A_51, %swap3A_52] {strides = array<i32>} : memref<16x80xf32, #tpu.memory_space<vmem>>, vector<16xf32>,
      tpu.vector_store %arg13[%swap3A_51, %swap3A_52], %broadcast_in_dim3A_1 {strides = array<i32>} : memref<16x80xf32, #tpu.memory_space<vmem>>, vector<16xf32>,
      %swap3A_54 = arith.index_cast %scan3A_44 : i32 to index
      %swap3A_55 = arith.constant 48 : index
      %swap3A_56 = tpu.vector_load %arg13[%swap3A_54, %swap3A_55] {strides = array<i32>} : memref<16x80xf32, #tpu.memory_space<vmem>>, vector<16xf32>,
      tpu.vector_store %arg13[%swap3A_54, %swap3A_55], %broadcast_in_dim3A_1 {strides = array<i32>} : memref<16x80xf32, #tpu.memory_space<vmem>>, vector<16xf32>,
      %swap3A_57 = arith.index_cast %scan3A_44 : i32 to index
      %swap3A_58 = arith.constant 64 : index
      %swap3A_59 = tpu.vector_load %arg13[%swap3A_57, %swap3A_58] {strides = array<i32>} : memref<16x80xf32, #tpu.memory_space<vmem>>, vector<16xf32>,
      tpu.vector_store %arg13[%swap3A_57, %swap3A_58], %broadcast_in_dim3A_1 {strides = array<i32>} : memref<16x80xf32, #tpu.memory_space<vmem>>, vector<16xf32>,
      %scan3A_60 = arith.constant 0 : i32
      scf.yield %scan3A_60 : i32
    }
    %scan3A_7 = arith.constant 16 : i32
    %scan3A_8 = arith.constant 0 : i32
    %scan3A_9 = arith.constant 0 : i32
    %scan3A_10 = arith.constant 39 : i32
    %scan3A_11 = arith.addi %scan3A_9, %scan3A_10 : i32
    %scan3A_12 = arith.constant 1 : i32
    %scan3A_13 = scf.for %scan3A_44 = %scan3A_9 to %scan3A_11 step %scan3A_12 iter_args(%scan3A_45 = %scan3A_8) -> (i32)  : i32 {
      %mul3A_46 = arith.constant 624 : i32
      %mul3A_47 = arith.muli %arg1, %mul3A_46 : i32
      %mul3A_48 = arith.constant 16 : i32
      %mul3A_49 = arith.muli %scan3A_44, %mul3A_48 : i32
      %add3A_50 = arith.addi %mul3A_47, %mul3A_49 : i32
      "tpu.region"() ({
        %run_scoped3A = tpu.sem_alloc : memref<!tpu.dma_semaphore, #tpu.memory_space<semaphore_mem>>
        %dma_start3A = arith.constant 0 : i32
        %dma_start3A_52 = tpu.memref_slice %arg12[%add3A_50, %dma_start3A] : memref<10000x80xf32, #tpu.memory_space<vmem_shared>> -> memref<16x80xf32, #tpu.memory_space<vmem_shared>>
        %dma_start3A_53 = arith.constant 0 : i32
        %dma_start3A_54 = tpu.memref_slice %arg12[%add3A_50, %dma_start3A_53] : memref<10000x80xf32, #tpu.memory_space<vmem_shared>> -> memref<16x80xf32, #tpu.memory_space<vmem_shared>>
        tpu.enqueue_dma source(%arg13 : memref<16x80xf32, #tpu.memory_space<vmem>>) target(%dma_start3A_54 : memref<16x80xf32, #tpu.memory_space<vmem_shared>>) target_semaphore(%run_scoped3A : memref<!tpu.dma_semaphore, #tpu.memory_space<semaphore_mem>>)
        %dma_wait3A = arith.constant 0 : i32
        %dma_wait3A_55 = tpu.memref_slice %arg12[%add3A_50, %dma_wait3A] : memref<10000x80xf32, #tpu.memory_space<vmem_shared>> -> memref<16x80xf32, #tpu.memory_space<vmem_shared>>
        %dma_wait3A_56 = arith.constant 0 : i32
        %dma_wait3A_57 = tpu.memref_slice %arg12[%add3A_50, %dma_wait3A_56] : memref<10000x80xf32, #tpu.memory_space<vmem_shared>> -> memref<16x80xf32, #tpu.memory_space<vmem_shared>>
        tpu.wait_dma2 semaphore(%run_scoped3A : memref<!tpu.dma_semaphore, #tpu.memory_space<semaphore_mem>>) src(%arg13 : memref<16x80xf32, #tpu.memory_space<vmem>>) dst(%dma_wait3A_57 : memref<16x80xf32, #tpu.memory_space<vmem_shared>>)
        tpu.yield
      }) : () -> ()
      %scan3A_51 = arith.constant 0 : i32
      scf.yield %scan3A_51 : i32
    }
    %scan3A_14 = arith.constant 39 : i32
    %lt3A = arith.constant 2 : i32
    %lt3A_15 = arith.cmpi slt, %arg1, %lt3A : i32
    %convert_element_type3A = arith.extui %lt3A_15 : i1 to i32
    %cond3A = arith.constant 0 : i32
    %cond3A_16 = arith.cmpi ne, %convert_element_type3A, %cond3A : i32
    scf.if %cond3A_16 {
      %mul3A_44 = arith.constant 8 : i32
      %mul3A_45 = arith.muli %arg1, %mul3A_44 : i32
      %add3A_46 = arith.constant 9984 : i32
      %add3A_47 = arith.addi %add3A_46, %mul3A_45 : i32
      "tpu.region"() ({
        %run_scoped3A = tpu.sem_alloc : memref<!tpu.dma_semaphore, #tpu.memory_space<semaphore_mem>>
        %dma_start3A = arith.constant 0 : i32
        %dma_start3A_48 = arith.constant 0 : i32
        %dma_start3A_49 = tpu.memref_slice %arg13[%dma_start3A, %dma_start3A_48] : memref<16x80xf32, #tpu.memory_space<vmem>> -> memref<8x80xf32, #tpu.memory_space<vmem>>
        %dma_start3A_50 = arith.constant 0 : i32
        %dma_start3A_51 = tpu.memref_slice %arg12[%add3A_47, %dma_start3A_50] : memref<10000x80xf32, #tpu.memory_space<vmem_shared>> -> memref<8x80xf32, #tpu.memory_space<vmem_shared>>
        %dma_start3A_52 = arith.constant 0 : i32
        %dma_start3A_53 = tpu.memref_slice %arg12[%add3A_47, %dma_start3A_52] : memref<10000x80xf32, #tpu.memory_space<vmem_shared>> -> memref<8x80xf32, #tpu.memory_space<vmem_shared>>
        %dma_start3A_54 = arith.constant 0 : i32
        %dma_start3A_55 = arith.constant 0 : i32
        %dma_start3A_56 = tpu.memref_slice %arg13[%dma_start3A_54, %dma_start3A_55] : memref<16x80xf32, #tpu.memory_space<vmem>> -> memref<8x80xf32, #tpu.memory_space<vmem>>
        tpu.enqueue_dma source(%dma_start3A_56 : memref<8x80xf32, #tpu.memory_space<vmem>>) target(%dma_start3A_53 : memref<8x80xf32, #tpu.memory_space<vmem_shared>>) target_semaphore(%run_scoped3A : memref<!tpu.dma_semaphore, #tpu.memory_space<semaphore_mem>>)
        %dma_wait3A = arith.constant 0 : i32
        %dma_wait3A_57 = arith.constant 0 : i32
        %dma_wait3A_58 = tpu.memref_slice %arg13[%dma_wait3A, %dma_wait3A_57] : memref<16x80xf32, #tpu.memory_space<vmem>> -> memref<8x80xf32, #tpu.memory_space<vmem>>
        %dma_wait3A_59 = arith.constant 0 : i32
        %dma_wait3A_60 = tpu.memref_slice %arg12[%add3A_47, %dma_wait3A_59] : memref<10000x80xf32, #tpu.memory_space<vmem_shared>> -> memref<8x80xf32, #tpu.memory_space<vmem_shared>>
        %dma_wait3A_61 = arith.constant 0 : i32
        %dma_wait3A_62 = tpu.memref_slice %arg12[%add3A_47, %dma_wait3A_61] : memref<10000x80xf32, #tpu.memory_space<vmem_shared>> -> memref<8x80xf32, #tpu.memory_space<vmem_shared>>
        %dma_wait3A_63 = arith.constant 0 : i32
        %dma_wait3A_64 = arith.constant 0 : i32
        %dma_wait3A_65 = tpu.memref_slice %arg13[%dma_wait3A_63, %dma_wait3A_64] : memref<16x80xf32, #tpu.memory_space<vmem>> -> memref<8x80xf32, #tpu.memory_space<vmem>>
        tpu.wait_dma2 semaphore(%run_scoped3A : memref<!tpu.dma_semaphore, #tpu.memory_space<semaphore_mem>>) src(%dma_wait3A_65 : memref<8x80xf32, #tpu.memory_space<vmem>>) dst(%dma_wait3A_62 : memref<8x80xf32, #tpu.memory_space<vmem_shared>>)
        tpu.yield
      }) : () -> ()
    } else {
    }
    %barrier3A = arith.constant 0 : index
    tpu.barrier barrier_id(%barrier3A)
    %mul3A_17 = arith.constant 10000 : i32
    %mul3A_18 = arith.muli %add3A, %mul3A_17 : i32
    %scan3A_19 = arith.constant 0 : i32
    %scan3A_20 = arith.constant 0 : i32
    %scan3A_21 = arith.constant 125 : i32
    %scan3A_22 = arith.addi %scan3A_20, %scan3A_21 : i32
    %scan3A_23 = arith.constant 1 : i32
    %scan3A_24 = scf.for %scan3A_44 = %scan3A_20 to %scan3A_22 step %scan3A_23 iter_args(%scan3A_45 = %scan3A_19) -> (i32)  : i32 {
      %mul3A_46 = arith.constant 80 : i32
      %mul3A_47 = arith.muli %scan3A_44, %mul3A_46 : i32
      %add3A_48 = arith.addi %mul3A_18, %mul3A_47 : i32
      "tpu.region"() ({
        %run_scoped3A = tpu.sem_alloc : memref<!tpu.dma_semaphore, #tpu.memory_space<semaphore_mem>>
        %dma_start3A_70 = tpu.memref_slice %arg2[%add3A_48] : memref<320000xi32, #tpu.memory_space<hbm>> -> memref<80xi32, #tpu.memory_space<hbm>>
        %dma_start3A_71 = tpu.memref_slice %arg2[%add3A_48] : memref<320000xi32, #tpu.memory_space<hbm>> -> memref<80xi32, #tpu.memory_space<hbm>>
        tpu.enqueue_dma source(%dma_start3A_71 : memref<80xi32, #tpu.memory_space<hbm>>) target(%arg7 : memref<80xi32, #tpu.memory_space<vmem>>) target_semaphore(%run_scoped3A : memref<!tpu.dma_semaphore, #tpu.memory_space<semaphore_mem>>)
        %dma_wait3A_72 = tpu.memref_slice %arg2[%add3A_48] : memref<320000xi32, #tpu.memory_space<hbm>> -> memref<80xi32, #tpu.memory_space<hbm>>
        %dma_wait3A_73 = tpu.memref_slice %arg2[%add3A_48] : memref<320000xi32, #tpu.memory_space<hbm>> -> memref<80xi32, #tpu.memory_space<hbm>>
        tpu.wait_dma2 semaphore(%run_scoped3A : memref<!tpu.dma_semaphore, #tpu.memory_space<semaphore_mem>>) src(%dma_wait3A_73 : memref<80xi32, #tpu.memory_space<hbm>>) dst(%arg7 : memref<80xi32, #tpu.memory_space<vmem>>)
        tpu.yield
      }) : () -> ()
      %mul3A_49 = arith.constant 80 : i32
      %mul3A_50 = arith.muli %scan3A_44, %mul3A_49 : i32
      %add3A_51 = arith.addi %mul3A_18, %mul3A_50 : i32
      "tpu.region"() ({
        %run_scoped3A = tpu.sem_alloc : memref<!tpu.dma_semaphore, #tpu.memory_space<semaphore_mem>>
        %dma_start3A_70 = tpu.memref_slice %arg3[%add3A_51] : memref<320000xi32, #tpu.memory_space<hbm>> -> memref<80xi32, #tpu.memory_space<hbm>>
        %dma_start3A_71 = tpu.memref_slice %arg3[%add3A_51] : memref<320000xi32, #tpu.memory_space<hbm>> -> memref<80xi32, #tpu.memory_space<hbm>>
        tpu.enqueue_dma source(%dma_start3A_71 : memref<80xi32, #tpu.memory_space<hbm>>) target(%arg8 : memref<80xi32, #tpu.memory_space<vmem>>) target_semaphore(%run_scoped3A : memref<!tpu.dma_semaphore, #tpu.memory_space<semaphore_mem>>)
        %dma_wait3A_72 = tpu.memref_slice %arg3[%add3A_51] : memref<320000xi32, #tpu.memory_space<hbm>> -> memref<80xi32, #tpu.memory_space<hbm>>
        %dma_wait3A_73 = tpu.memref_slice %arg3[%add3A_51] : memref<320000xi32, #tpu.memory_space<hbm>> -> memref<80xi32, #tpu.memory_space<hbm>>
        tpu.wait_dma2 semaphore(%run_scoped3A : memref<!tpu.dma_semaphore, #tpu.memory_space<semaphore_mem>>) src(%dma_wait3A_73 : memref<80xi32, #tpu.memory_space<hbm>>) dst(%arg8 : memref<80xi32, #tpu.memory_space<vmem>>)
        tpu.yield
      }) : () -> ()
      %dma_start3A = arith.constant 0 : i32
      %dma_start3A_52 = arith.constant 0 : i32
      %dma_start3A_53 = tpu.memref_slice %arg4[%dma_start3A, %dma_start3A_52] : memref<10000x128xf32, #tpu.memory_space<hbm>> -> memref<10000x128xf32, #tpu.memory_space<hbm>>
      tpu.enqueue_indirect_dma source(%dma_start3A_53 : memref<10000x128xf32, #tpu.memory_space<hbm>>) target(%arg9 : memref<80x128xf32, #tpu.memory_space<vmem>>) offsets(%arg7 : memref<80xi32, #tpu.memory_space<vmem>>) semaphore(%arg14 : memref<!tpu.dma_semaphore, #tpu.memory_space<semaphore_mem>>)
      %dma_start3A_54 = arith.constant 0 : i32
      %dma_start3A_55 = arith.constant 0 : i32
      %dma_start3A_56 = tpu.memref_slice %arg5[%dma_start3A_54, %dma_start3A_55] : memref<10000x128xf32, #tpu.memory_space<hbm>> -> memref<10000x128xf32, #tpu.memory_space<hbm>>
      tpu.enqueue_indirect_dma source(%dma_start3A_56 : memref<10000x128xf32, #tpu.memory_space<hbm>>) target(%arg10 : memref<80x128xf32, #tpu.memory_space<vmem>>) offsets(%arg8 : memref<80xi32, #tpu.memory_space<vmem>>) semaphore(%arg15 : memref<!tpu.dma_semaphore, #tpu.memory_space<semaphore_mem>>)
      %dma_wait3A = arith.constant 0 : i32
      %dma_wait3A_57 = arith.constant 0 : i32
      %dma_wait3A_58 = tpu.memref_slice %arg4[%dma_wait3A, %dma_wait3A_57] : memref<10000x128xf32, #tpu.memory_space<hbm>> -> memref<10000x128xf32, #tpu.memory_space<hbm>>
      tpu.wait_indirect_dma semaphore(%arg14 : memref<!tpu.dma_semaphore, #tpu.memory_space<semaphore_mem>>) src(%dma_wait3A_58 : memref<10000x128xf32, #tpu.memory_space<hbm>>) dst(%arg9 : memref<80x128xf32, #tpu.memory_space<vmem>>)
      %dma_wait3A_59 = arith.constant 0 : i32
      %dma_wait3A_60 = arith.constant 0 : i32
      %dma_wait3A_61 = tpu.memref_slice %arg5[%dma_wait3A_59, %dma_wait3A_60] : memref<10000x128xf32, #tpu.memory_space<hbm>> -> memref<10000x128xf32, #tpu.memory_space<hbm>>
      tpu.wait_indirect_dma semaphore(%arg15 : memref<!tpu.dma_semaphore, #tpu.memory_space<semaphore_mem>>) src(%dma_wait3A_61 : memref<10000x128xf32, #tpu.memory_space<hbm>>) dst(%arg10 : memref<80x128xf32, #tpu.memory_space<vmem>>)
      %scan3A_62 = arith.constant 0 : i32
      %scan3A_63 = arith.constant 0 : i32
      %scan3A_64 = arith.constant 80 : i32
      %scan3A_65 = arith.addi %scan3A_63, %scan3A_64 : i32
      %scan3A_66 = arith.constant 1 : i32
      %scan3A_67 = scf.for %scan3A_70 = %scan3A_63 to %scan3A_65 step %scan3A_66 iter_args(%scan3A_71 = %scan3A_62) -> (i32)  : i32 {
        %get3A = arith.index_cast %scan3A_70 : i32 to index
        %get3A_72 = arith.constant 64 : index
        %get3A_73 = tpu.vector_load %arg9[%get3A, %get3A_72] {strides = array<i32>} : memref<80x128xf32, #tpu.memory_space<vmem>>, vector<16xf32>,
        %get3A_74 = arith.index_cast %scan3A_70 : i32 to index
        %get3A_75 = arith.constant 0 : index
        %get3A_76 = tpu.vector_load %arg10[%get3A_74, %get3A_75] {strides = array<i32>} : memref<80x128xf32, #tpu.memory_space<vmem>>, vector<16xf32>,
        %add3A_77 = arith.addf %get3A_73, %get3A_76 : vector<16xf32>
        %gt3A = arith.constant 0.000000e+00 : f32
        %gt3A_78 = vector.broadcast %gt3A : f32 to vector<16xf32>
        %gt3A_79 = arith.cmpf ogt, %add3A_77, %gt3A_78 : vector<16xf32>
        %mul3A_80 = arith.constant 2.000000e-01 : f32
        %mul3A_81 = vector.broadcast %mul3A_80 : f32 to vector<16xf32>
        %mul3A_82 = arith.mulf %mul3A_81, %add3A_77 : vector<16xf32>
        %select_n3A = arith.select %gt3A_79, %add3A_77, %mul3A_82 : vector<16xi1>, vector<16xf32>
        %exp3A = math.exp %select_n3A : vector<16xf32>
        %get3A_83 = arith.index_cast %scan3A_70 : i32 to index
        %get3A_84 = arith.constant 0 : index
        %get3A_85 = tpu.vector_load %arg9[%get3A_83, %get3A_84] {strides = array<i32>} : memref<80x128xf32, #tpu.memory_space<vmem>>, vector<16xf32>,
        %mul3A_86 = arith.mulf %get3A_85, %exp3A : vector<16xf32>
        %swap3A = arith.index_cast %scan3A_70 : i32 to index
        %swap3A_87 = arith.constant 0 : index
        %swap3A_88 = tpu.vector_load %arg11[%swap3A, %swap3A_87] {strides = array<i32>} : memref<80x80xf32, #tpu.memory_space<vmem>>, vector<16xf32>,
        tpu.vector_store %arg11[%swap3A, %swap3A_87], %mul3A_86 {strides = array<i32>} : memref<80x80xf32, #tpu.memory_space<vmem>>, vector<16xf32>,
        %get3A_89 = arith.index_cast %scan3A_70 : i32 to index
        %get3A_90 = arith.constant 16 : index
        %get3A_91 = tpu.vector_load %arg9[%get3A_89, %get3A_90] {strides = array<i32>} : memref<80x128xf32, #tpu.memory_space<vmem>>, vector<16xf32>,
        %mul3A_92 = arith.mulf %get3A_91, %exp3A : vector<16xf32>
        %swap3A_93 = arith.index_cast %scan3A_70 : i32 to index
        %swap3A_94 = arith.constant 16 : index
        %swap3A_95 = tpu.vector_load %arg11[%swap3A_93, %swap3A_94] {strides = array<i32>} : memref<80x80xf32, #tpu.memory_space<vmem>>, vector<16xf32>,
        tpu.vector_store %arg11[%swap3A_93, %swap3A_94], %mul3A_92 {strides = array<i32>} : memref<80x80xf32, #tpu.memory_space<vmem>>, vector<16xf32>,
        %get3A_96 = arith.index_cast %scan3A_70 : i32 to index
        %get3A_97 = arith.constant 32 : index
        %get3A_98 = tpu.vector_load %arg9[%get3A_96, %get3A_97] {strides = array<i32>} : memref<80x128xf32, #tpu.memory_space<vmem>>, vector<16xf32>,
        %mul3A_99 = arith.mulf %get3A_98, %exp3A : vector<16xf32>
        %swap3A_100 = arith.index_cast %scan3A_70 : i32 to index
        %swap3A_101 = arith.constant 32 : index
        %swap3A_102 = tpu.vector_load %arg11[%swap3A_100, %swap3A_101] {strides = array<i32>} : memref<80x80xf32, #tpu.memory_space<vmem>>, vector<16xf32>,
        tpu.vector_store %arg11[%swap3A_100, %swap3A_101], %mul3A_99 {strides = array<i32>} : memref<80x80xf32, #tpu.memory_space<vmem>>, vector<16xf32>,
        %get3A_103 = arith.index_cast %scan3A_70 : i32 to index
        %get3A_104 = arith.constant 48 : index
        %get3A_105 = tpu.vector_load %arg9[%get3A_103, %get3A_104] {strides = array<i32>} : memref<80x128xf32, #tpu.memory_space<vmem>>, vector<16xf32>,
        %mul3A_106 = arith.mulf %get3A_105, %exp3A : vector<16xf32>
        %swap3A_107 = arith.index_cast %scan3A_70 : i32 to index
        %swap3A_108 = arith.constant 48 : index
        %swap3A_109 = tpu.vector_load %arg11[%swap3A_107, %swap3A_108] {strides = array<i32>} : memref<80x80xf32, #tpu.memory_space<vmem>>, vector<16xf32>,
        tpu.vector_store %arg11[%swap3A_107, %swap3A_108], %mul3A_106 {strides = array<i32>} : memref<80x80xf32, #tpu.memory_space<vmem>>, vector<16xf32>,
        %swap3A_110 = arith.index_cast %scan3A_70 : i32 to index
        %swap3A_111 = arith.constant 64 : index
        %swap3A_112 = tpu.vector_load %arg11[%swap3A_110, %swap3A_111] {strides = array<i32>} : memref<80x80xf32, #tpu.memory_space<vmem>>, vector<16xf32>,
        tpu.vector_store %arg11[%swap3A_110, %swap3A_111], %exp3A {strides = array<i32>} : memref<80x80xf32, #tpu.memory_space<vmem>>, vector<16xf32>,
        %scan3A_113 = arith.constant 0 : i32
        scf.yield %scan3A_113 : i32
      }
      %scan3A_68 = arith.constant 80 : i32
      "tpu.region"() ({
        %run_scoped3A = tpu.sem_alloc : memref<!tpu.dma_semaphore, #tpu.memory_space<semaphore_mem>>
        %dma_start3A_70 = arith.constant 0 : i32
        %dma_start3A_71 = arith.constant 0 : i32
        %dma_start3A_72 = tpu.memref_slice %arg12[%dma_start3A_70, %dma_start3A_71] : memref<10000x80xf32, #tpu.memory_space<vmem_shared>> -> memref<10000x80xf32, #tpu.memory_space<vmem_shared>>
        tpu.enqueue_indirect_dma source(%arg11 : memref<80x80xf32, #tpu.memory_space<vmem>>) target(%dma_start3A_72 : memref<10000x80xf32, #tpu.memory_space<vmem_shared>>) offsets(%arg8 : memref<80xi32, #tpu.memory_space<vmem>>) semaphore(%run_scoped3A : memref<!tpu.dma_semaphore, #tpu.memory_space<semaphore_mem>>) {add = true}
        %dma_wait3A_73 = arith.constant 0 : i32
        %dma_wait3A_74 = arith.constant 0 : i32
        %dma_wait3A_75 = tpu.memref_slice %arg12[%dma_wait3A_73, %dma_wait3A_74] : memref<10000x80xf32, #tpu.memory_space<vmem_shared>> -> memref<10000x80xf32, #tpu.memory_space<vmem_shared>>
        tpu.wait_indirect_dma semaphore(%run_scoped3A : memref<!tpu.dma_semaphore, #tpu.memory_space<semaphore_mem>>) src(%arg11 : memref<80x80xf32, #tpu.memory_space<vmem>>) dst(%dma_wait3A_75 : memref<10000x80xf32, #tpu.memory_space<vmem_shared>>)
        tpu.yield
      }) : () -> ()
      %scan3A_69 = arith.constant 0 : i32
      scf.yield %scan3A_69 : i32
    }
    %scan3A_25 = arith.constant 125 : i32
    %barrier3A_26 = arith.constant 0 : index
    tpu.barrier barrier_id(%barrier3A_26)
    %mul3A_27 = arith.constant 624 : i32
    %mul3A_28 = arith.muli %arg1, %mul3A_27 : i32
    %add3A_29 = arith.constant 0 : i32
    %add3A_30 = arith.addi %mul3A_28, %add3A_29 : i32
    "tpu.region"() ({
      %run_scoped3A = tpu.sem_alloc : memref<!tpu.dma_semaphore, #tpu.memory_space<semaphore_mem>>
      %dma_start3A = arith.constant 0 : i32
      %dma_start3A_44 = tpu.memref_slice %arg6[%arg0, %add3A_30, %dma_start3A] : memref<2x10000x80xf32, #tpu.memory_space<hbm>> -> memref<1x208x80xf32, #tpu.memory_space<hbm>>
      %dma_start3A_45 = tpu.memref_squeeze %dma_start3A_44 : memref<1x208x80xf32, #tpu.memory_space<hbm>> -> memref<208x80xf32, #tpu.memory_space<hbm>>
      %dma_start3A_46 = arith.constant 0 : i32
      %dma_start3A_47 = tpu.memref_slice %arg12[%add3A_30, %dma_start3A_46] : memref<10000x80xf32, #tpu.memory_space<vmem_shared>> -> memref<208x80xf32, #tpu.memory_space<vmem_shared>>
      tpu.enqueue_dma source(%dma_start3A_47 : memref<208x80xf32, #tpu.memory_space<vmem_shared>>) target(%dma_start3A_45 : memref<208x80xf32, #tpu.memory_space<hbm>>) target_semaphore(%run_scoped3A : memref<!tpu.dma_semaphore, #tpu.memory_space<semaphore_mem>>)
      %dma_wait3A = arith.constant 0 : i32
      %dma_wait3A_48 = tpu.memref_slice %arg6[%arg0, %add3A_30, %dma_wait3A] : memref<2x10000x80xf32, #tpu.memory_space<hbm>> -> memref<1x208x80xf32, #tpu.memory_space<hbm>>
      %dma_wait3A_49 = tpu.memref_squeeze %dma_wait3A_48 : memref<1x208x80xf32, #tpu.memory_space<hbm>> -> memref<208x80xf32, #tpu.memory_space<hbm>>
      %dma_wait3A_50 = arith.constant 0 : i32
      %dma_wait3A_51 = tpu.memref_slice %arg12[%add3A_30, %dma_wait3A_50] : memref<10000x80xf32, #tpu.memory_space<vmem_shared>> -> memref<208x80xf32, #tpu.memory_space<vmem_shared>>
      tpu.wait_dma2 semaphore(%run_scoped3A : memref<!tpu.dma_semaphore, #tpu.memory_space<semaphore_mem>>) src(%dma_wait3A_51 : memref<208x80xf32, #tpu.memory_space<vmem_shared>>) dst(%dma_wait3A_49 : memref<208x80xf32, #tpu.memory_space<hbm>>)
      tpu.yield
    }) : () -> ()
    %mul3A_31 = arith.constant 624 : i32
    %mul3A_32 = arith.muli %arg1, %mul3A_31 : i32
    %add3A_33 = arith.constant 208 : i32
    %add3A_34 = arith.addi %mul3A_32, %add3A_33 : i32
    "tpu.region"() ({
      %run_scoped3A = tpu.sem_alloc : memref<!tpu.dma_semaphore, #tpu.memory_space<semaphore_mem>>
      %dma_start3A = arith.constant 0 : i32
      %dma_start3A_44 = tpu.memref_slice %arg6[%arg0, %add3A_34, %dma_start3A] : memref<2x10000x80xf32, #tpu.memory_space<hbm>> -> memref<1x208x80xf32, #tpu.memory_space<hbm>>
      %dma_start3A_45 = tpu.memref_squeeze %dma_start3A_44 : memref<1x208x80xf32, #tpu.memory_space<hbm>> -> memref<208x80xf32, #tpu.memory_space<hbm>>
      %dma_start3A_46 = arith.constant 0 : i32
      %dma_start3A_47 = tpu.memref_slice %arg12[%add3A_34, %dma_start3A_46] : memref<10000x80xf32, #tpu.memory_space<vmem_shared>> -> memref<208x80xf32, #tpu.memory_space<vmem_shared>>
      tpu.enqueue_dma source(%dma_start3A_47 : memref<208x80xf32, #tpu.memory_space<vmem_shared>>) target(%dma_start3A_45 : memref<208x80xf32, #tpu.memory_space<hbm>>) target_semaphore(%run_scoped3A : memref<!tpu.dma_semaphore, #tpu.memory_space<semaphore_mem>>)
      %dma_wait3A = arith.constant 0 : i32
      %dma_wait3A_48 = tpu.memref_slice %arg6[%arg0, %add3A_34, %dma_wait3A] : memref<2x10000x80xf32, #tpu.memory_space<hbm>> -> memref<1x208x80xf32, #tpu.memory_space<hbm>>
      %dma_wait3A_49 = tpu.memref_squeeze %dma_wait3A_48 : memref<1x208x80xf32, #tpu.memory_space<hbm>> -> memref<208x80xf32, #tpu.memory_space<hbm>>
      %dma_wait3A_50 = arith.constant 0 : i32
      %dma_wait3A_51 = tpu.memref_slice %arg12[%add3A_34, %dma_wait3A_50] : memref<10000x80xf32, #tpu.memory_space<vmem_shared>> -> memref<208x80xf32, #tpu.memory_space<vmem_shared>>
      tpu.wait_dma2 semaphore(%run_scoped3A : memref<!tpu.dma_semaphore, #tpu.memory_space<semaphore_mem>>) src(%dma_wait3A_51 : memref<208x80xf32, #tpu.memory_space<vmem_shared>>) dst(%dma_wait3A_49 : memref<208x80xf32, #tpu.memory_space<hbm>>)
      tpu.yield
    }) : () -> ()
    %mul3A_35 = arith.constant 624 : i32
    %mul3A_36 = arith.muli %arg1, %mul3A_35 : i32
    %add3A_37 = arith.constant 416 : i32
    %add3A_38 = arith.addi %mul3A_36, %add3A_37 : i32
    "tpu.region"() ({
      %run_scoped3A = tpu.sem_alloc : memref<!tpu.dma_semaphore, #tpu.memory_space<semaphore_mem>>
      %dma_start3A = arith.constant 0 : i32
      %dma_start3A_44 = tpu.memref_slice %arg6[%arg0, %add3A_38, %dma_start3A] : memref<2x10000x80xf32, #tpu.memory_space<hbm>> -> memref<1x208x80xf32, #tpu.memory_space<hbm>>
      %dma_start3A_45 = tpu.memref_squeeze %dma_start3A_44 : memref<1x208x80xf32, #tpu.memory_space<hbm>> -> memref<208x80xf32, #tpu.memory_space<hbm>>
      %dma_start3A_46 = arith.constant 0 : i32
      %dma_start3A_47 = tpu.memref_slice %arg12[%add3A_38, %dma_start3A_46] : memref<10000x80xf32, #tpu.memory_space<vmem_shared>> -> memref<208x80xf32, #tpu.memory_space<vmem_shared>>
      tpu.enqueue_dma source(%dma_start3A_47 : memref<208x80xf32, #tpu.memory_space<vmem_shared>>) target(%dma_start3A_45 : memref<208x80xf32, #tpu.memory_space<hbm>>) target_semaphore(%run_scoped3A : memref<!tpu.dma_semaphore, #tpu.memory_space<semaphore_mem>>)
      %dma_wait3A = arith.constant 0 : i32
      %dma_wait3A_48 = tpu.memref_slice %arg6[%arg0, %add3A_38, %dma_wait3A] : memref<2x10000x80xf32, #tpu.memory_space<hbm>> -> memref<1x208x80xf32, #tpu.memory_space<hbm>>
      %dma_wait3A_49 = tpu.memref_squeeze %dma_wait3A_48 : memref<1x208x80xf32, #tpu.memory_space<hbm>> -> memref<208x80xf32, #tpu.memory_space<hbm>>
      %dma_wait3A_50 = arith.constant 0 : i32
      %dma_wait3A_51 = tpu.memref_slice %arg12[%add3A_38, %dma_wait3A_50] : memref<10000x80xf32, #tpu.memory_space<vmem_shared>> -> memref<208x80xf32, #tpu.memory_space<vmem_shared>>
      tpu.wait_dma2 semaphore(%run_scoped3A : memref<!tpu.dma_semaphore, #tpu.memory_space<semaphore_mem>>) src(%dma_wait3A_51 : memref<208x80xf32, #tpu.memory_space<vmem_shared>>) dst(%dma_wait3A_49 : memref<208x80xf32, #tpu.memory_space<hbm>>)
      tpu.yield
    }) : () -> ()
    %lt3A_39 = arith.constant 2 : i32
    %lt3A_40 = arith.cmpi slt, %arg1, %lt3A_39 : i32
    %convert_element_type3A_41 = arith.extui %lt3A_40 : i1 to i32
    %cond3A_42 = arith.constant 0 : i32
    %cond3A_43 = arith.cmpi ne, %convert_element_type3A_41, %cond3A_42 : i32
    scf.if %cond3A_43 {
      %mul3A_44 = arith.constant 8 : i32
      %mul3A_45 = arith.muli %arg1, %mul3A_44 : i32
      %add3A_46 = arith.constant 9984 : i32
      %add3A_47 = arith.addi %add3A_46, %mul3A_45 : i32
      "tpu.region"() ({
        %run_scoped3A = tpu.sem_alloc : memref<!tpu.dma_semaphore, #tpu.memory_space<semaphore_mem>>
        %dma_start3A = arith.constant 0 : i32
        %dma_start3A_48 = tpu.memref_slice %arg6[%arg0, %add3A_47, %dma_start3A] : memref<2x10000x80xf32, #tpu.memory_space<hbm>> -> memref<1x8x80xf32, #tpu.memory_space<hbm>>
        %dma_start3A_49 = tpu.memref_squeeze %dma_start3A_48 : memref<1x8x80xf32, #tpu.memory_space<hbm>> -> memref<8x80xf32, #tpu.memory_space<hbm>>
        %dma_start3A_50 = arith.constant 0 : i32
        %dma_start3A_51 = tpu.memref_slice %arg12[%add3A_47, %dma_start3A_50] : memref<10000x80xf32, #tpu.memory_space<vmem_shared>> -> memref<8x80xf32, #tpu.memory_space<vmem_shared>>
        tpu.enqueue_dma source(%dma_start3A_51 : memref<8x80xf32, #tpu.memory_space<vmem_shared>>) target(%dma_start3A_49 : memref<8x80xf32, #tpu.memory_space<hbm>>) target_semaphore(%run_scoped3A : memref<!tpu.dma_semaphore, #tpu.memory_space<semaphore_mem>>)
        %dma_wait3A = arith.constant 0 : i32
        %dma_wait3A_52 = tpu.memref_slice %arg6[%arg0, %add3A_47, %dma_wait3A] : memref<2x10000x80xf32, #tpu.memory_space<hbm>> -> memref<1x8x80xf32, #tpu.memory_space<hbm>>
        %dma_wait3A_53 = tpu.memref_squeeze %dma_wait3A_52 : memref<1x8x80xf32, #tpu.memory_space<hbm>> -> memref<8x80xf32, #tpu.memory_space<hbm>>
        %dma_wait3A_54 = arith.constant 0 : i32
        %dma_wait3A_55 = tpu.memref_slice %arg12[%add3A_47, %dma_wait3A_54] : memref<10000x80xf32, #tpu.memory_space<vmem_shared>> -> memref<8x80xf32, #tpu.memory_space<vmem_shared>>
        tpu.wait_dma2 semaphore(%run_scoped3A : memref<!tpu.dma_semaphore, #tpu.memory_space<semaphore_mem>>) src(%dma_wait3A_55 : memref<8x80xf32, #tpu.memory_space<vmem_shared>>) dst(%dma_wait3A_53 : memref<8x80xf32, #tpu.memory_space<hbm>>)
        tpu.yield
      }) : () -> ()
    } else {
    }
    return
  }
}

#map = affine_map<(d0, d1) -> (0)>
#map1 = affine_map<(d0, d1) -> (0, 0)>
#map2 = affine_map<(d0, d1) -> (0, 0, 0)>
module attributes {stable_mosaic.version = 14 : i64} {
  func.func @_edge_kernel(%arg0: i32, %arg1: i32, %arg2: memref<320000xi32, #tpu.memory_space<hbm>>, %arg3: memref<320000xi32, #tpu.memory_space<hbm>>, %arg4: memref<10000x128xf32, #tpu.memory_space<hbm>>, %arg5: memref<10000x128xf32, #tpu.memory_space<hbm>>, %arg6: memref<2x10000x32xf32, #tpu.memory_space<hbm>>, %arg7: memref<80xi32, #tpu.memory_space<vmem>>, %arg8: memref<80xi32, #tpu.memory_space<vmem>>, %arg9: memref<80x128xf32, #tpu.memory_space<vmem>>, %arg10: memref<80x128xf32, #tpu.memory_space<vmem>>, %arg11: memref<80x32xf32, #tpu.memory_space<vmem>>, %arg12: memref<10000x32xf32, #tpu.memory_space<vmem_shared>>, %arg13: memref<16x32xf32, #tpu.memory_space<vmem>>, %arg14: memref<!tpu.dma_semaphore, #tpu.memory_space<semaphore_mem>>, %arg15: memref<!tpu.dma_semaphore, #tpu.memory_space<semaphore_mem>>) attributes {dimension_semantics = [#tpu.dimension_semantics<core_parallel>, #tpu.dimension_semantics<subcore_parallel>], iteration_bounds = array<i64: 2, 16>, scalar_prefetch = 0 : i64, scratch_operands = 9 : i64, tpu.core_type = #tpu.core_type<sc_vector_subcore>, window_params = [{transform_indices = #map}, {transform_indices = #map}, {transform_indices = #map1}, {transform_indices = #map1}, {transform_indices = #map2}]} {
    %mul3A = arith.constant 2 : i32
    %mul3A_0 = arith.muli %arg1, %mul3A : i32
    %add3A = arith.addi %mul3A_0, %arg0 : i32
    %broadcast_in_dim3A = arith.constant 0.000000e+00 : f32
    %broadcast_in_dim3A_1 = vector.broadcast %broadcast_in_dim3A : f32 to vector<16xf32>
    %scan3A = arith.constant 0 : i32
    %scan3A_2 = arith.constant 0 : i32
    %scan3A_3 = arith.constant 16 : i32
    %scan3A_4 = arith.addi %scan3A_2, %scan3A_3 : i32
    %scan3A_5 = arith.constant 1 : i32
    %scan3A_6 = scf.for %scan3A_44 = %scan3A_2 to %scan3A_4 step %scan3A_5 iter_args(%scan3A_45 = %scan3A) -> (i32)  : i32 {
      %swap3A = arith.index_cast %scan3A_44 : i32 to index
      %swap3A_46 = arith.constant 0 : index
      %swap3A_47 = tpu.vector_load %arg13[%swap3A, %swap3A_46] {strides = array<i32>} : memref<16x32xf32, #tpu.memory_space<vmem>>, vector<16xf32>,
      tpu.vector_store %arg13[%swap3A, %swap3A_46], %broadcast_in_dim3A_1 {strides = array<i32>} : memref<16x32xf32, #tpu.memory_space<vmem>>, vector<16xf32>,
      %swap3A_48 = arith.index_cast %scan3A_44 : i32 to index
      %swap3A_49 = arith.constant 16 : index
      %swap3A_50 = tpu.vector_load %arg13[%swap3A_48, %swap3A_49] {strides = array<i32>} : memref<16x32xf32, #tpu.memory_space<vmem>>, vector<16xf32>,
      tpu.vector_store %arg13[%swap3A_48, %swap3A_49], %broadcast_in_dim3A_1 {strides = array<i32>} : memref<16x32xf32, #tpu.memory_space<vmem>>, vector<16xf32>,
      %scan3A_51 = arith.constant 0 : i32
      scf.yield %scan3A_51 : i32
    }
    %scan3A_7 = arith.constant 16 : i32
    %scan3A_8 = arith.constant 0 : i32
    %scan3A_9 = arith.constant 0 : i32
    %scan3A_10 = arith.constant 39 : i32
    %scan3A_11 = arith.addi %scan3A_9, %scan3A_10 : i32
    %scan3A_12 = arith.constant 1 : i32
    %scan3A_13 = scf.for %scan3A_44 = %scan3A_9 to %scan3A_11 step %scan3A_12 iter_args(%scan3A_45 = %scan3A_8) -> (i32)  : i32 {
      %mul3A_46 = arith.constant 624 : i32
      %mul3A_47 = arith.muli %arg1, %mul3A_46 : i32
      %mul3A_48 = arith.constant 16 : i32
      %mul3A_49 = arith.muli %scan3A_44, %mul3A_48 : i32
      %add3A_50 = arith.addi %mul3A_47, %mul3A_49 : i32
      "tpu.region"() ({
        %run_scoped3A = tpu.sem_alloc : memref<!tpu.dma_semaphore, #tpu.memory_space<semaphore_mem>>
        %dma_start3A = arith.constant 0 : i32
        %dma_start3A_52 = tpu.memref_slice %arg12[%add3A_50, %dma_start3A] : memref<10000x32xf32, #tpu.memory_space<vmem_shared>> -> memref<16x32xf32, #tpu.memory_space<vmem_shared>>
        %dma_start3A_53 = arith.constant 0 : i32
        %dma_start3A_54 = tpu.memref_slice %arg12[%add3A_50, %dma_start3A_53] : memref<10000x32xf32, #tpu.memory_space<vmem_shared>> -> memref<16x32xf32, #tpu.memory_space<vmem_shared>>
        tpu.enqueue_dma source(%arg13 : memref<16x32xf32, #tpu.memory_space<vmem>>) target(%dma_start3A_54 : memref<16x32xf32, #tpu.memory_space<vmem_shared>>) target_semaphore(%run_scoped3A : memref<!tpu.dma_semaphore, #tpu.memory_space<semaphore_mem>>)
        %dma_wait3A = arith.constant 0 : i32
        %dma_wait3A_55 = tpu.memref_slice %arg12[%add3A_50, %dma_wait3A] : memref<10000x32xf32, #tpu.memory_space<vmem_shared>> -> memref<16x32xf32, #tpu.memory_space<vmem_shared>>
        %dma_wait3A_56 = arith.constant 0 : i32
        %dma_wait3A_57 = tpu.memref_slice %arg12[%add3A_50, %dma_wait3A_56] : memref<10000x32xf32, #tpu.memory_space<vmem_shared>> -> memref<16x32xf32, #tpu.memory_space<vmem_shared>>
        tpu.wait_dma2 semaphore(%run_scoped3A : memref<!tpu.dma_semaphore, #tpu.memory_space<semaphore_mem>>) src(%arg13 : memref<16x32xf32, #tpu.memory_space<vmem>>) dst(%dma_wait3A_57 : memref<16x32xf32, #tpu.memory_space<vmem_shared>>)
        tpu.yield
      }) : () -> ()
      %scan3A_51 = arith.constant 0 : i32
      scf.yield %scan3A_51 : i32
    }
    %scan3A_14 = arith.constant 39 : i32
    %lt3A = arith.constant 2 : i32
    %lt3A_15 = arith.cmpi slt, %arg1, %lt3A : i32
    %convert_element_type3A = arith.extui %lt3A_15 : i1 to i32
    %cond3A = arith.constant 0 : i32
    %cond3A_16 = arith.cmpi ne, %convert_element_type3A, %cond3A : i32
    scf.if %cond3A_16 {
      %mul3A_44 = arith.constant 8 : i32
      %mul3A_45 = arith.muli %arg1, %mul3A_44 : i32
      %add3A_46 = arith.constant 9984 : i32
      %add3A_47 = arith.addi %add3A_46, %mul3A_45 : i32
      "tpu.region"() ({
        %run_scoped3A = tpu.sem_alloc : memref<!tpu.dma_semaphore, #tpu.memory_space<semaphore_mem>>
        %dma_start3A = arith.constant 0 : i32
        %dma_start3A_48 = arith.constant 0 : i32
        %dma_start3A_49 = tpu.memref_slice %arg13[%dma_start3A, %dma_start3A_48] : memref<16x32xf32, #tpu.memory_space<vmem>> -> memref<8x32xf32, #tpu.memory_space<vmem>>
        %dma_start3A_50 = arith.constant 0 : i32
        %dma_start3A_51 = tpu.memref_slice %arg12[%add3A_47, %dma_start3A_50] : memref<10000x32xf32, #tpu.memory_space<vmem_shared>> -> memref<8x32xf32, #tpu.memory_space<vmem_shared>>
        %dma_start3A_52 = arith.constant 0 : i32
        %dma_start3A_53 = tpu.memref_slice %arg12[%add3A_47, %dma_start3A_52] : memref<10000x32xf32, #tpu.memory_space<vmem_shared>> -> memref<8x32xf32, #tpu.memory_space<vmem_shared>>
        %dma_start3A_54 = arith.constant 0 : i32
        %dma_start3A_55 = arith.constant 0 : i32
        %dma_start3A_56 = tpu.memref_slice %arg13[%dma_start3A_54, %dma_start3A_55] : memref<16x32xf32, #tpu.memory_space<vmem>> -> memref<8x32xf32, #tpu.memory_space<vmem>>
        tpu.enqueue_dma source(%dma_start3A_56 : memref<8x32xf32, #tpu.memory_space<vmem>>) target(%dma_start3A_53 : memref<8x32xf32, #tpu.memory_space<vmem_shared>>) target_semaphore(%run_scoped3A : memref<!tpu.dma_semaphore, #tpu.memory_space<semaphore_mem>>)
        %dma_wait3A = arith.constant 0 : i32
        %dma_wait3A_57 = arith.constant 0 : i32
        %dma_wait3A_58 = tpu.memref_slice %arg13[%dma_wait3A, %dma_wait3A_57] : memref<16x32xf32, #tpu.memory_space<vmem>> -> memref<8x32xf32, #tpu.memory_space<vmem>>
        %dma_wait3A_59 = arith.constant 0 : i32
        %dma_wait3A_60 = tpu.memref_slice %arg12[%add3A_47, %dma_wait3A_59] : memref<10000x32xf32, #tpu.memory_space<vmem_shared>> -> memref<8x32xf32, #tpu.memory_space<vmem_shared>>
        %dma_wait3A_61 = arith.constant 0 : i32
        %dma_wait3A_62 = tpu.memref_slice %arg12[%add3A_47, %dma_wait3A_61] : memref<10000x32xf32, #tpu.memory_space<vmem_shared>> -> memref<8x32xf32, #tpu.memory_space<vmem_shared>>
        %dma_wait3A_63 = arith.constant 0 : i32
        %dma_wait3A_64 = arith.constant 0 : i32
        %dma_wait3A_65 = tpu.memref_slice %arg13[%dma_wait3A_63, %dma_wait3A_64] : memref<16x32xf32, #tpu.memory_space<vmem>> -> memref<8x32xf32, #tpu.memory_space<vmem>>
        tpu.wait_dma2 semaphore(%run_scoped3A : memref<!tpu.dma_semaphore, #tpu.memory_space<semaphore_mem>>) src(%dma_wait3A_65 : memref<8x32xf32, #tpu.memory_space<vmem>>) dst(%dma_wait3A_62 : memref<8x32xf32, #tpu.memory_space<vmem_shared>>)
        tpu.yield
      }) : () -> ()
    } else {
    }
    %barrier3A = arith.constant 0 : index
    tpu.barrier barrier_id(%barrier3A)
    %mul3A_17 = arith.constant 10000 : i32
    %mul3A_18 = arith.muli %add3A, %mul3A_17 : i32
    %scan3A_19 = arith.constant 0 : i32
    %scan3A_20 = arith.constant 0 : i32
    %scan3A_21 = arith.constant 125 : i32
    %scan3A_22 = arith.addi %scan3A_20, %scan3A_21 : i32
    %scan3A_23 = arith.constant 1 : i32
    %scan3A_24 = scf.for %scan3A_44 = %scan3A_20 to %scan3A_22 step %scan3A_23 iter_args(%scan3A_45 = %scan3A_19) -> (i32)  : i32 {
      %mul3A_46 = arith.constant 80 : i32
      %mul3A_47 = arith.muli %scan3A_44, %mul3A_46 : i32
      %add3A_48 = arith.addi %mul3A_18, %mul3A_47 : i32
      "tpu.region"() ({
        %run_scoped3A = tpu.sem_alloc : memref<!tpu.dma_semaphore, #tpu.memory_space<semaphore_mem>>
        %dma_start3A_70 = tpu.memref_slice %arg2[%add3A_48] : memref<320000xi32, #tpu.memory_space<hbm>> -> memref<80xi32, #tpu.memory_space<hbm>>
        %dma_start3A_71 = tpu.memref_slice %arg2[%add3A_48] : memref<320000xi32, #tpu.memory_space<hbm>> -> memref<80xi32, #tpu.memory_space<hbm>>
        tpu.enqueue_dma source(%dma_start3A_71 : memref<80xi32, #tpu.memory_space<hbm>>) target(%arg7 : memref<80xi32, #tpu.memory_space<vmem>>) target_semaphore(%run_scoped3A : memref<!tpu.dma_semaphore, #tpu.memory_space<semaphore_mem>>)
        %dma_wait3A_72 = tpu.memref_slice %arg2[%add3A_48] : memref<320000xi32, #tpu.memory_space<hbm>> -> memref<80xi32, #tpu.memory_space<hbm>>
        %dma_wait3A_73 = tpu.memref_slice %arg2[%add3A_48] : memref<320000xi32, #tpu.memory_space<hbm>> -> memref<80xi32, #tpu.memory_space<hbm>>
        tpu.wait_dma2 semaphore(%run_scoped3A : memref<!tpu.dma_semaphore, #tpu.memory_space<semaphore_mem>>) src(%dma_wait3A_73 : memref<80xi32, #tpu.memory_space<hbm>>) dst(%arg7 : memref<80xi32, #tpu.memory_space<vmem>>)
        tpu.yield
      }) : () -> ()
      %mul3A_49 = arith.constant 80 : i32
      %mul3A_50 = arith.muli %scan3A_44, %mul3A_49 : i32
      %add3A_51 = arith.addi %mul3A_18, %mul3A_50 : i32
      "tpu.region"() ({
        %run_scoped3A = tpu.sem_alloc : memref<!tpu.dma_semaphore, #tpu.memory_space<semaphore_mem>>
        %dma_start3A_70 = tpu.memref_slice %arg3[%add3A_51] : memref<320000xi32, #tpu.memory_space<hbm>> -> memref<80xi32, #tpu.memory_space<hbm>>
        %dma_start3A_71 = tpu.memref_slice %arg3[%add3A_51] : memref<320000xi32, #tpu.memory_space<hbm>> -> memref<80xi32, #tpu.memory_space<hbm>>
        tpu.enqueue_dma source(%dma_start3A_71 : memref<80xi32, #tpu.memory_space<hbm>>) target(%arg8 : memref<80xi32, #tpu.memory_space<vmem>>) target_semaphore(%run_scoped3A : memref<!tpu.dma_semaphore, #tpu.memory_space<semaphore_mem>>)
        %dma_wait3A_72 = tpu.memref_slice %arg3[%add3A_51] : memref<320000xi32, #tpu.memory_space<hbm>> -> memref<80xi32, #tpu.memory_space<hbm>>
        %dma_wait3A_73 = tpu.memref_slice %arg3[%add3A_51] : memref<320000xi32, #tpu.memory_space<hbm>> -> memref<80xi32, #tpu.memory_space<hbm>>
        tpu.wait_dma2 semaphore(%run_scoped3A : memref<!tpu.dma_semaphore, #tpu.memory_space<semaphore_mem>>) src(%dma_wait3A_73 : memref<80xi32, #tpu.memory_space<hbm>>) dst(%arg8 : memref<80xi32, #tpu.memory_space<vmem>>)
        tpu.yield
      }) : () -> ()
      %dma_start3A = arith.constant 0 : i32
      %dma_start3A_52 = arith.constant 0 : i32
      %dma_start3A_53 = tpu.memref_slice %arg4[%dma_start3A, %dma_start3A_52] : memref<10000x128xf32, #tpu.memory_space<hbm>> -> memref<10000x128xf32, #tpu.memory_space<hbm>>
      tpu.enqueue_indirect_dma source(%dma_start3A_53 : memref<10000x128xf32, #tpu.memory_space<hbm>>) target(%arg9 : memref<80x128xf32, #tpu.memory_space<vmem>>) offsets(%arg7 : memref<80xi32, #tpu.memory_space<vmem>>) semaphore(%arg14 : memref<!tpu.dma_semaphore, #tpu.memory_space<semaphore_mem>>)
      %dma_start3A_54 = arith.constant 0 : i32
      %dma_start3A_55 = arith.constant 0 : i32
      %dma_start3A_56 = tpu.memref_slice %arg5[%dma_start3A_54, %dma_start3A_55] : memref<10000x128xf32, #tpu.memory_space<hbm>> -> memref<10000x128xf32, #tpu.memory_space<hbm>>
      tpu.enqueue_indirect_dma source(%dma_start3A_56 : memref<10000x128xf32, #tpu.memory_space<hbm>>) target(%arg10 : memref<80x128xf32, #tpu.memory_space<vmem>>) offsets(%arg8 : memref<80xi32, #tpu.memory_space<vmem>>) semaphore(%arg15 : memref<!tpu.dma_semaphore, #tpu.memory_space<semaphore_mem>>)
      %dma_wait3A = arith.constant 0 : i32
      %dma_wait3A_57 = arith.constant 0 : i32
      %dma_wait3A_58 = tpu.memref_slice %arg4[%dma_wait3A, %dma_wait3A_57] : memref<10000x128xf32, #tpu.memory_space<hbm>> -> memref<10000x128xf32, #tpu.memory_space<hbm>>
      tpu.wait_indirect_dma semaphore(%arg14 : memref<!tpu.dma_semaphore, #tpu.memory_space<semaphore_mem>>) src(%dma_wait3A_58 : memref<10000x128xf32, #tpu.memory_space<hbm>>) dst(%arg9 : memref<80x128xf32, #tpu.memory_space<vmem>>)
      %dma_wait3A_59 = arith.constant 0 : i32
      %dma_wait3A_60 = arith.constant 0 : i32
      %dma_wait3A_61 = tpu.memref_slice %arg5[%dma_wait3A_59, %dma_wait3A_60] : memref<10000x128xf32, #tpu.memory_space<hbm>> -> memref<10000x128xf32, #tpu.memory_space<hbm>>
      tpu.wait_indirect_dma semaphore(%arg15 : memref<!tpu.dma_semaphore, #tpu.memory_space<semaphore_mem>>) src(%dma_wait3A_61 : memref<10000x128xf32, #tpu.memory_space<hbm>>) dst(%arg10 : memref<80x128xf32, #tpu.memory_space<vmem>>)
      %scan3A_62 = arith.constant 0 : i32
      %scan3A_63 = arith.constant 0 : i32
      %scan3A_64 = arith.constant 80 : i32
      %scan3A_65 = arith.addi %scan3A_63, %scan3A_64 : i32
      %scan3A_66 = arith.constant 1 : i32
      %scan3A_67 = scf.for %scan3A_70 = %scan3A_63 to %scan3A_65 step %scan3A_66 iter_args(%scan3A_71 = %scan3A_62) -> (i32)  : i32 {
        %get3A = arith.index_cast %scan3A_70 : i32 to index
        %get3A_72 = arith.constant 16 : index
        %get3A_73 = tpu.vector_load %arg9[%get3A, %get3A_72] {strides = array<i32>} : memref<80x128xf32, #tpu.memory_space<vmem>>, vector<16xf32>,
        %get3A_74 = arith.index_cast %scan3A_70 : i32 to index
        %get3A_75 = arith.constant 0 : index
        %get3A_76 = tpu.vector_load %arg10[%get3A_74, %get3A_75] {strides = array<i32>} : memref<80x128xf32, #tpu.memory_space<vmem>>, vector<16xf32>,
        %add3A_77 = arith.addf %get3A_73, %get3A_76 : vector<16xf32>
        %gt3A = arith.constant 0.000000e+00 : f32
        %gt3A_78 = vector.broadcast %gt3A : f32 to vector<16xf32>
        %gt3A_79 = arith.cmpf ogt, %add3A_77, %gt3A_78 : vector<16xf32>
        %mul3A_80 = arith.constant 2.000000e-01 : f32
        %mul3A_81 = vector.broadcast %mul3A_80 : f32 to vector<16xf32>
        %mul3A_82 = arith.mulf %mul3A_81, %add3A_77 : vector<16xf32>
        %select_n3A = arith.select %gt3A_79, %add3A_77, %mul3A_82 : vector<16xi1>, vector<16xf32>
        %exp3A = math.exp %select_n3A : vector<16xf32>
        %get3A_83 = arith.index_cast %scan3A_70 : i32 to index
        %get3A_84 = arith.constant 0 : index
        %get3A_85 = tpu.vector_load %arg9[%get3A_83, %get3A_84] {strides = array<i32>} : memref<80x128xf32, #tpu.memory_space<vmem>>, vector<16xf32>,
        %mul3A_86 = arith.mulf %get3A_85, %exp3A : vector<16xf32>
        %swap3A = arith.index_cast %scan3A_70 : i32 to index
        %swap3A_87 = arith.constant 0 : index
        %swap3A_88 = tpu.vector_load %arg11[%swap3A, %swap3A_87] {strides = array<i32>} : memref<80x32xf32, #tpu.memory_space<vmem>>, vector<16xf32>,
        tpu.vector_store %arg11[%swap3A, %swap3A_87], %mul3A_86 {strides = array<i32>} : memref<80x32xf32, #tpu.memory_space<vmem>>, vector<16xf32>,
        %swap3A_89 = arith.index_cast %scan3A_70 : i32 to index
        %swap3A_90 = arith.constant 16 : index
        %swap3A_91 = tpu.vector_load %arg11[%swap3A_89, %swap3A_90] {strides = array<i32>} : memref<80x32xf32, #tpu.memory_space<vmem>>, vector<16xf32>,
        tpu.vector_store %arg11[%swap3A_89, %swap3A_90], %exp3A {strides = array<i32>} : memref<80x32xf32, #tpu.memory_space<vmem>>, vector<16xf32>,
        %scan3A_92 = arith.constant 0 : i32
        scf.yield %scan3A_92 : i32
      }
      %scan3A_68 = arith.constant 80 : i32
      "tpu.region"() ({
        %run_scoped3A = tpu.sem_alloc : memref<!tpu.dma_semaphore, #tpu.memory_space<semaphore_mem>>
        %dma_start3A_70 = arith.constant 0 : i32
        %dma_start3A_71 = arith.constant 0 : i32
        %dma_start3A_72 = tpu.memref_slice %arg12[%dma_start3A_70, %dma_start3A_71] : memref<10000x32xf32, #tpu.memory_space<vmem_shared>> -> memref<10000x32xf32, #tpu.memory_space<vmem_shared>>
        tpu.enqueue_indirect_dma source(%arg11 : memref<80x32xf32, #tpu.memory_space<vmem>>) target(%dma_start3A_72 : memref<10000x32xf32, #tpu.memory_space<vmem_shared>>) offsets(%arg8 : memref<80xi32, #tpu.memory_space<vmem>>) semaphore(%run_scoped3A : memref<!tpu.dma_semaphore, #tpu.memory_space<semaphore_mem>>) {add = true}
        %dma_wait3A_73 = arith.constant 0 : i32
        %dma_wait3A_74 = arith.constant 0 : i32
        %dma_wait3A_75 = tpu.memref_slice %arg12[%dma_wait3A_73, %dma_wait3A_74] : memref<10000x32xf32, #tpu.memory_space<vmem_shared>> -> memref<10000x32xf32, #tpu.memory_space<vmem_shared>>
        tpu.wait_indirect_dma semaphore(%run_scoped3A : memref<!tpu.dma_semaphore, #tpu.memory_space<semaphore_mem>>) src(%arg11 : memref<80x32xf32, #tpu.memory_space<vmem>>) dst(%dma_wait3A_75 : memref<10000x32xf32, #tpu.memory_space<vmem_shared>>)
        tpu.yield
      }) : () -> ()
      %scan3A_69 = arith.constant 0 : i32
      scf.yield %scan3A_69 : i32
    }
    %scan3A_25 = arith.constant 125 : i32
    %barrier3A_26 = arith.constant 0 : index
    tpu.barrier barrier_id(%barrier3A_26)
    %mul3A_27 = arith.constant 624 : i32
    %mul3A_28 = arith.muli %arg1, %mul3A_27 : i32
    %add3A_29 = arith.constant 0 : i32
    %add3A_30 = arith.addi %mul3A_28, %add3A_29 : i32
    "tpu.region"() ({
      %run_scoped3A = tpu.sem_alloc : memref<!tpu.dma_semaphore, #tpu.memory_space<semaphore_mem>>
      %dma_start3A = arith.constant 0 : i32
      %dma_start3A_44 = tpu.memref_slice %arg6[%arg0, %add3A_30, %dma_start3A] : memref<2x10000x32xf32, #tpu.memory_space<hbm>> -> memref<1x208x32xf32, #tpu.memory_space<hbm>>
      %dma_start3A_45 = tpu.memref_squeeze %dma_start3A_44 : memref<1x208x32xf32, #tpu.memory_space<hbm>> -> memref<208x32xf32, #tpu.memory_space<hbm>>
      %dma_start3A_46 = arith.constant 0 : i32
      %dma_start3A_47 = tpu.memref_slice %arg12[%add3A_30, %dma_start3A_46] : memref<10000x32xf32, #tpu.memory_space<vmem_shared>> -> memref<208x32xf32, #tpu.memory_space<vmem_shared>>
      tpu.enqueue_dma source(%dma_start3A_47 : memref<208x32xf32, #tpu.memory_space<vmem_shared>>) target(%dma_start3A_45 : memref<208x32xf32, #tpu.memory_space<hbm>>) target_semaphore(%run_scoped3A : memref<!tpu.dma_semaphore, #tpu.memory_space<semaphore_mem>>)
      %dma_wait3A = arith.constant 0 : i32
      %dma_wait3A_48 = tpu.memref_slice %arg6[%arg0, %add3A_30, %dma_wait3A] : memref<2x10000x32xf32, #tpu.memory_space<hbm>> -> memref<1x208x32xf32, #tpu.memory_space<hbm>>
      %dma_wait3A_49 = tpu.memref_squeeze %dma_wait3A_48 : memref<1x208x32xf32, #tpu.memory_space<hbm>> -> memref<208x32xf32, #tpu.memory_space<hbm>>
      %dma_wait3A_50 = arith.constant 0 : i32
      %dma_wait3A_51 = tpu.memref_slice %arg12[%add3A_30, %dma_wait3A_50] : memref<10000x32xf32, #tpu.memory_space<vmem_shared>> -> memref<208x32xf32, #tpu.memory_space<vmem_shared>>
      tpu.wait_dma2 semaphore(%run_scoped3A : memref<!tpu.dma_semaphore, #tpu.memory_space<semaphore_mem>>) src(%dma_wait3A_51 : memref<208x32xf32, #tpu.memory_space<vmem_shared>>) dst(%dma_wait3A_49 : memref<208x32xf32, #tpu.memory_space<hbm>>)
      tpu.yield
    }) : () -> ()
    %mul3A_31 = arith.constant 624 : i32
    %mul3A_32 = arith.muli %arg1, %mul3A_31 : i32
    %add3A_33 = arith.constant 208 : i32
    %add3A_34 = arith.addi %mul3A_32, %add3A_33 : i32
    "tpu.region"() ({
      %run_scoped3A = tpu.sem_alloc : memref<!tpu.dma_semaphore, #tpu.memory_space<semaphore_mem>>
      %dma_start3A = arith.constant 0 : i32
      %dma_start3A_44 = tpu.memref_slice %arg6[%arg0, %add3A_34, %dma_start3A] : memref<2x10000x32xf32, #tpu.memory_space<hbm>> -> memref<1x208x32xf32, #tpu.memory_space<hbm>>
      %dma_start3A_45 = tpu.memref_squeeze %dma_start3A_44 : memref<1x208x32xf32, #tpu.memory_space<hbm>> -> memref<208x32xf32, #tpu.memory_space<hbm>>
      %dma_start3A_46 = arith.constant 0 : i32
      %dma_start3A_47 = tpu.memref_slice %arg12[%add3A_34, %dma_start3A_46] : memref<10000x32xf32, #tpu.memory_space<vmem_shared>> -> memref<208x32xf32, #tpu.memory_space<vmem_shared>>
      tpu.enqueue_dma source(%dma_start3A_47 : memref<208x32xf32, #tpu.memory_space<vmem_shared>>) target(%dma_start3A_45 : memref<208x32xf32, #tpu.memory_space<hbm>>) target_semaphore(%run_scoped3A : memref<!tpu.dma_semaphore, #tpu.memory_space<semaphore_mem>>)
      %dma_wait3A = arith.constant 0 : i32
      %dma_wait3A_48 = tpu.memref_slice %arg6[%arg0, %add3A_34, %dma_wait3A] : memref<2x10000x32xf32, #tpu.memory_space<hbm>> -> memref<1x208x32xf32, #tpu.memory_space<hbm>>
      %dma_wait3A_49 = tpu.memref_squeeze %dma_wait3A_48 : memref<1x208x32xf32, #tpu.memory_space<hbm>> -> memref<208x32xf32, #tpu.memory_space<hbm>>
      %dma_wait3A_50 = arith.constant 0 : i32
      %dma_wait3A_51 = tpu.memref_slice %arg12[%add3A_34, %dma_wait3A_50] : memref<10000x32xf32, #tpu.memory_space<vmem_shared>> -> memref<208x32xf32, #tpu.memory_space<vmem_shared>>
      tpu.wait_dma2 semaphore(%run_scoped3A : memref<!tpu.dma_semaphore, #tpu.memory_space<semaphore_mem>>) src(%dma_wait3A_51 : memref<208x32xf32, #tpu.memory_space<vmem_shared>>) dst(%dma_wait3A_49 : memref<208x32xf32, #tpu.memory_space<hbm>>)
      tpu.yield
    }) : () -> ()
    %mul3A_35 = arith.constant 624 : i32
    %mul3A_36 = arith.muli %arg1, %mul3A_35 : i32
    %add3A_37 = arith.constant 416 : i32
    %add3A_38 = arith.addi %mul3A_36, %add3A_37 : i32
    "tpu.region"() ({
      %run_scoped3A = tpu.sem_alloc : memref<!tpu.dma_semaphore, #tpu.memory_space<semaphore_mem>>
      %dma_start3A = arith.constant 0 : i32
      %dma_start3A_44 = tpu.memref_slice %arg6[%arg0, %add3A_38, %dma_start3A] : memref<2x10000x32xf32, #tpu.memory_space<hbm>> -> memref<1x208x32xf32, #tpu.memory_space<hbm>>
      %dma_start3A_45 = tpu.memref_squeeze %dma_start3A_44 : memref<1x208x32xf32, #tpu.memory_space<hbm>> -> memref<208x32xf32, #tpu.memory_space<hbm>>
      %dma_start3A_46 = arith.constant 0 : i32
      %dma_start3A_47 = tpu.memref_slice %arg12[%add3A_38, %dma_start3A_46] : memref<10000x32xf32, #tpu.memory_space<vmem_shared>> -> memref<208x32xf32, #tpu.memory_space<vmem_shared>>
      tpu.enqueue_dma source(%dma_start3A_47 : memref<208x32xf32, #tpu.memory_space<vmem_shared>>) target(%dma_start3A_45 : memref<208x32xf32, #tpu.memory_space<hbm>>) target_semaphore(%run_scoped3A : memref<!tpu.dma_semaphore, #tpu.memory_space<semaphore_mem>>)
      %dma_wait3A = arith.constant 0 : i32
      %dma_wait3A_48 = tpu.memref_slice %arg6[%arg0, %add3A_38, %dma_wait3A] : memref<2x10000x32xf32, #tpu.memory_space<hbm>> -> memref<1x208x32xf32, #tpu.memory_space<hbm>>
      %dma_wait3A_49 = tpu.memref_squeeze %dma_wait3A_48 : memref<1x208x32xf32, #tpu.memory_space<hbm>> -> memref<208x32xf32, #tpu.memory_space<hbm>>
      %dma_wait3A_50 = arith.constant 0 : i32
      %dma_wait3A_51 = tpu.memref_slice %arg12[%add3A_38, %dma_wait3A_50] : memref<10000x32xf32, #tpu.memory_space<vmem_shared>> -> memref<208x32xf32, #tpu.memory_space<vmem_shared>>
      tpu.wait_dma2 semaphore(%run_scoped3A : memref<!tpu.dma_semaphore, #tpu.memory_space<semaphore_mem>>) src(%dma_wait3A_51 : memref<208x32xf32, #tpu.memory_space<vmem_shared>>) dst(%dma_wait3A_49 : memref<208x32xf32, #tpu.memory_space<hbm>>)
      tpu.yield
    }) : () -> ()
    %lt3A_39 = arith.constant 2 : i32
    %lt3A_40 = arith.cmpi slt, %arg1, %lt3A_39 : i32
    %convert_element_type3A_41 = arith.extui %lt3A_40 : i1 to i32
    %cond3A_42 = arith.constant 0 : i32
    %cond3A_43 = arith.cmpi ne, %convert_element_type3A_41, %cond3A_42 : i32
    scf.if %cond3A_43 {
      %mul3A_44 = arith.constant 8 : i32
      %mul3A_45 = arith.muli %arg1, %mul3A_44 : i32
      %add3A_46 = arith.constant 9984 : i32
      %add3A_47 = arith.addi %add3A_46, %mul3A_45 : i32
      "tpu.region"() ({
        %run_scoped3A = tpu.sem_alloc : memref<!tpu.dma_semaphore, #tpu.memory_space<semaphore_mem>>
        %dma_start3A = arith.constant 0 : i32
        %dma_start3A_48 = tpu.memref_slice %arg6[%arg0, %add3A_47, %dma_start3A] : memref<2x10000x32xf32, #tpu.memory_space<hbm>> -> memref<1x8x32xf32, #tpu.memory_space<hbm>>
        %dma_start3A_49 = tpu.memref_squeeze %dma_start3A_48 : memref<1x8x32xf32, #tpu.memory_space<hbm>> -> memref<8x32xf32, #tpu.memory_space<hbm>>
        %dma_start3A_50 = arith.constant 0 : i32
        %dma_start3A_51 = tpu.memref_slice %arg12[%add3A_47, %dma_start3A_50] : memref<10000x32xf32, #tpu.memory_space<vmem_shared>> -> memref<8x32xf32, #tpu.memory_space<vmem_shared>>
        tpu.enqueue_dma source(%dma_start3A_51 : memref<8x32xf32, #tpu.memory_space<vmem_shared>>) target(%dma_start3A_49 : memref<8x32xf32, #tpu.memory_space<hbm>>) target_semaphore(%run_scoped3A : memref<!tpu.dma_semaphore, #tpu.memory_space<semaphore_mem>>)
        %dma_wait3A = arith.constant 0 : i32
        %dma_wait3A_52 = tpu.memref_slice %arg6[%arg0, %add3A_47, %dma_wait3A] : memref<2x10000x32xf32, #tpu.memory_space<hbm>> -> memref<1x8x32xf32, #tpu.memory_space<hbm>>
        %dma_wait3A_53 = tpu.memref_squeeze %dma_wait3A_52 : memref<1x8x32xf32, #tpu.memory_space<hbm>> -> memref<8x32xf32, #tpu.memory_space<hbm>>
        %dma_wait3A_54 = arith.constant 0 : i32
        %dma_wait3A_55 = tpu.memref_slice %arg12[%add3A_47, %dma_wait3A_54] : memref<10000x32xf32, #tpu.memory_space<vmem_shared>> -> memref<8x32xf32, #tpu.memory_space<vmem_shared>>
        tpu.wait_dma2 semaphore(%run_scoped3A : memref<!tpu.dma_semaphore, #tpu.memory_space<semaphore_mem>>) src(%dma_wait3A_55 : memref<8x32xf32, #tpu.memory_space<vmem_shared>>) dst(%dma_wait3A_53 : memref<8x32xf32, #tpu.memory_space<hbm>>)
        tpu.yield
      }) : () -> ()
    } else {
    }
    return
  }
}

module attributes {stable_mosaic.version = 14 : i64} {
  func.func @_prep1_body(%arg0: i32, %arg1: memref<1000x128xf32, #tpu.memory_space<vmem>>, %arg2: memref<128x64xf32, #tpu.memory_space<vmem>>, %arg3: memref<64x8xf32, #tpu.memory_space<vmem>>, %arg4: memref<64x8xf32, #tpu.memory_space<vmem>>, %arg5: memref<1000x128xf32, #tpu.memory_space<vmem>>, %arg6: memref<1000x128xf32, #tpu.memory_space<vmem>>) attributes {dimension_semantics = [#tpu.dimension_semantics<arbitrary>], iteration_bounds = array<i64: 10>, scalar_prefetch = 0 : i64, scratch_operands = 0 : i64, tpu.core_type = #tpu.core_type<tc>, window_params = [{transform_indices = @transform_0, window_bounds = array<i64: 1000, 128>}, {pipeline_mode = #tpu.pipeline_mode<synchronous>, transform_indices = @transform_1, window_bounds = array<i64: 128, 64>}, {pipeline_mode = #tpu.pipeline_mode<synchronous>, transform_indices = @transform_2, window_bounds = array<i64: 64, 8>}, {pipeline_mode = #tpu.pipeline_mode<synchronous>, transform_indices = @transform_3, window_bounds = array<i64: 64, 8>}, {transform_indices = @transform_4, window_bounds = array<i64: 1000, 128>}, {transform_indices = @transform_5, window_bounds = array<i64: 1000, 128>}]} {
    %get3A = arith.constant 0 : index
    %get3A_0 = arith.constant 0 : index
    %get3A_1 = vector.load %arg1[%get3A, %get3A_0] : memref<1000x128xf32, #tpu.memory_space<vmem>>, vector<1000x128xf32>
    %get3A_2 = arith.constant 0 : index
    %get3A_3 = arith.constant 0 : index
    %get3A_4 = vector.load %arg2[%get3A_2, %get3A_3] : memref<128x64xf32, #tpu.memory_space<vmem>>, vector<128x64xf32>
    %dot_general3A = arith.constant dense<0.000000e+00> : vector<1000x64xf32>
    %dot_general3A_5 = tpu.matmul %get3A_1, %get3A_4, %dot_general3A {dimension_numbers = #tpu.dot_dimension_numbers<[1], [0], [0], [1], [0, 0, 1, 1], [], []>, transpose_lhs_hint = false} : vector<1000x128xf32>, vector<128x64xf32>, vector<1000x64xf32> -> vector<1000x64xf32>
    %get3A_6 = arith.constant 0 : index
    %get3A_7 = arith.constant 0 : index
    %get3A_8 = vector.load %arg3[%get3A_6, %get3A_7] : memref<64x8xf32, #tpu.memory_space<vmem>>, vector<64x8xf32>
    %dot_general3A_9 = arith.constant dense<0.000000e+00> : vector<1000x8xf32>
    %dot_general3A_10 = tpu.matmul %dot_general3A_5, %get3A_8, %dot_general3A_9 {dimension_numbers = #tpu.dot_dimension_numbers<[1], [0], [0], [1], [0, 0, 1, 1], [], []>, transpose_lhs_hint = false} : vector<1000x64xf32>, vector<64x8xf32>, vector<1000x8xf32> -> vector<1000x8xf32>
    %get3A_11 = arith.constant 0 : index
    %get3A_12 = arith.constant 0 : index
    %get3A_13 = vector.load %arg4[%get3A_11, %get3A_12] : memref<64x8xf32, #tpu.memory_space<vmem>>, vector<64x8xf32>
    %dot_general3A_14 = arith.constant dense<0.000000e+00> : vector<1000x8xf32>
    %dot_general3A_15 = tpu.matmul %dot_general3A_5, %get3A_13, %dot_general3A_14 {dimension_numbers = #tpu.dot_dimension_numbers<[1], [0], [0], [1], [0, 0, 1, 1], [], []>, transpose_lhs_hint = false} : vector<1000x64xf32>, vector<64x8xf32>, vector<1000x8xf32> -> vector<1000x8xf32>
    %broadcast_in_dim3A = arith.constant 0.000000e+00 : f32
    %broadcast_in_dim3A_16 = vector.broadcast %broadcast_in_dim3A : f32 to vector<1000x48xf32>
    %concatenate3A = tpu.concatenate %dot_general3A_5, %dot_general3A_10, %dot_general3A_10, %broadcast_in_dim3A_16 in 1 : vector<1000x64xf32>, vector<1000x8xf32>, vector<1000x8xf32>, vector<1000x48xf32> -> vector<1000x128xf32>
    %swap3A = arith.constant 0 : index
    %swap3A_17 = arith.constant 0 : index
    %swap3A_18 = vector.load %arg5[%swap3A, %swap3A_17] : memref<1000x128xf32, #tpu.memory_space<vmem>>, vector<1000x128xf32>
    tpu.vector_store %arg5[%swap3A, %swap3A_17], %concatenate3A {strides = array<i32>} : memref<1000x128xf32, #tpu.memory_space<vmem>>, vector<1000x128xf32>,
    %broadcast_in_dim3A_19 = arith.constant 0.000000e+00 : f32
    %broadcast_in_dim3A_20 = vector.broadcast %broadcast_in_dim3A_19 : f32 to vector<1000x112xf32>
    %concatenate3A_21 = tpu.concatenate %dot_general3A_15, %dot_general3A_15, %broadcast_in_dim3A_20 in 1 : vector<1000x8xf32>, vector<1000x8xf32>, vector<1000x112xf32> -> vector<1000x128xf32>
    %swap3A_22 = arith.constant 0 : index
    %swap3A_23 = arith.constant 0 : index
    %swap3A_24 = vector.load %arg6[%swap3A_22, %swap3A_23] : memref<1000x128xf32, #tpu.memory_space<vmem>>, vector<1000x128xf32>
    tpu.vector_store %arg6[%swap3A_22, %swap3A_23], %concatenate3A_21 {strides = array<i32>} : memref<1000x128xf32, #tpu.memory_space<vmem>>, vector<1000x128xf32>,
    return
  }
  func.func @transform_0(%arg0: i32) -> (i32, i32) {
    %c0_i32 = arith.constant 0 : i32
    %c0_i32_0 = arith.constant 0 : i32
    return %arg0, %c0_i32 : i32, i32
  }
  func.func @transform_1(%arg0: i32) -> (i32, i32) {
    %c0_i32 = arith.constant 0 : i32
    %c0_i32_0 = arith.constant 0 : i32
    %c0_i32_1 = arith.constant 0 : i32
    return %c0_i32, %c0_i32_0 : i32, i32
  }
  func.func @transform_2(%arg0: i32) -> (i32, i32) {
    %c0_i32 = arith.constant 0 : i32
    %c0_i32_0 = arith.constant 0 : i32
    %c0_i32_1 = arith.constant 0 : i32
    return %c0_i32, %c0_i32_0 : i32, i32
  }
  func.func @transform_3(%arg0: i32) -> (i32, i32) {
    %c0_i32 = arith.constant 0 : i32
    %c0_i32_0 = arith.constant 0 : i32
    %c0_i32_1 = arith.constant 0 : i32
    return %c0_i32, %c0_i32_0 : i32, i32
  }
  func.func @transform_4(%arg0: i32) -> (i32, i32) {
    %c0_i32 = arith.constant 0 : i32
    %c0_i32_0 = arith.constant 0 : i32
    return %arg0, %c0_i32 : i32, i32
  }
  func.func @transform_5(%arg0: i32) -> (i32, i32) {
    %c0_i32 = arith.constant 0 : i32
    %c0_i32_0 = arith.constant 0 : i32
    return %arg0, %c0_i32 : i32, i32
  }
}

module attributes {stable_mosaic.version = 14 : i64} {
  func.func @_prep2_body(%arg0: i32, %arg1: memref<1000x80xf32, #tpu.memory_space<vmem>>, %arg2: memref<1000x80xf32, #tpu.memory_space<vmem>>, %arg3: memref<1x64xf32, #tpu.memory_space<vmem>>, %arg4: memref<64x16xf32, #tpu.memory_space<vmem>>, %arg5: memref<1x16xf32, #tpu.memory_space<vmem>>, %arg6: memref<1x16xf32, #tpu.memory_space<vmem>>, %arg7: memref<8x64xf32, #tpu.memory_space<vmem>>, %arg8: memref<1000x128xf32, #tpu.memory_space<vmem>>, %arg9: memref<1000x128xf32, #tpu.memory_space<vmem>>) attributes {dimension_semantics = [#tpu.dimension_semantics<arbitrary>], iteration_bounds = array<i64: 10>, scalar_prefetch = 0 : i64, scratch_operands = 0 : i64, tpu.core_type = #tpu.core_type<tc>, window_params = [{transform_indices = @transform_0, window_bounds = array<i64: 1000, 80>}, {transform_indices = @transform_1, window_bounds = array<i64: 1000, 80>}, {pipeline_mode = #tpu.pipeline_mode<synchronous>, transform_indices = @transform_2, window_bounds = array<i64: 1, 64>}, {pipeline_mode = #tpu.pipeline_mode<synchronous>, transform_indices = @transform_3, window_bounds = array<i64: 64, 16>}, {pipeline_mode = #tpu.pipeline_mode<synchronous>, transform_indices = @transform_4, window_bounds = array<i64: 1, 16>}, {pipeline_mode = #tpu.pipeline_mode<synchronous>, transform_indices = @transform_5, window_bounds = array<i64: 1, 16>}, {pipeline_mode = #tpu.pipeline_mode<synchronous>, transform_indices = @transform_6, window_bounds = array<i64: 8, 64>}, {transform_indices = @transform_7, window_bounds = array<i64: 1000, 128>}, {transform_indices = @transform_8, window_bounds = array<i64: 1000, 128>}]} {
    %get3A = arith.constant 0 : index
    %get3A_0 = arith.constant 0 : index
    %get3A_1 = vector.load %arg1[%get3A, %get3A_0] : memref<1000x80xf32, #tpu.memory_space<vmem>>, vector<1000x80xf32>
    %get3A_2 = arith.constant 0 : index
    %get3A_3 = arith.constant 0 : index
    %get3A_4 = vector.load %arg2[%get3A_2, %get3A_3] : memref<1000x80xf32, #tpu.memory_space<vmem>>, vector<1000x80xf32>
    %add3A = arith.addf %get3A_1, %get3A_4 : vector<1000x80xf32>
    %slice3A = vector.extract_strided_slice %add3A {offsets = [0, 0], sizes = [1000, 64], strides = [1, 1]} : vector<1000x80xf32> to vector<1000x64xf32>
    %slice3A_5 = vector.extract_strided_slice %add3A {offsets = [0, 64], sizes = [1000, 8], strides = [1, 1]} : vector<1000x80xf32> to vector<1000x8xf32>
    %get3A_6 = arith.constant 0 : index
    %get3A_7 = arith.constant 0 : index
    %get3A_8 = vector.load %arg7[%get3A_6, %get3A_7] : memref<8x64xf32, #tpu.memory_space<vmem>>, vector<8x64xf32>
    %dot_general3A = arith.constant dense<0.000000e+00> : vector<1000x64xf32>
    %dot_general3A_9 = tpu.matmul %slice3A_5, %get3A_8, %dot_general3A {dimension_numbers = #tpu.dot_dimension_numbers<[1], [0], [0], [1], [0, 0, 1, 1], [], []>, transpose_lhs_hint = false} : vector<1000x8xf32>, vector<8x64xf32>, vector<1000x64xf32> -> vector<1000x64xf32>
    %add3A_10 = arith.constant 9.99999971E-10 : f32
    %add3A_11 = vector.broadcast %add3A_10 : f32 to vector<1000x64xf32>
    %add3A_12 = arith.addf %dot_general3A_9, %add3A_11 : vector<1000x64xf32>
    %div3A = arith.divf %slice3A, %add3A_12 : vector<1000x64xf32>
    %get3A_13 = arith.constant 0 : index
    %get3A_14 = arith.constant 0 : index
    %get3A_15 = vector.load %arg3[%get3A_13, %get3A_14] : memref<1x64xf32, #tpu.memory_space<vmem>>, vector<1x64xf32>
    %add3A_16 = vector.broadcast %get3A_15 : vector<1x64xf32> to vector<1000x64xf32>
    %add3A_17 = arith.addf %div3A, %add3A_16 : vector<1000x64xf32>
    %gt3A = arith.constant 0.000000e+00 : f32
    %gt3A_18 = vector.broadcast %gt3A : f32 to vector<1000x64xf32>
    %gt3A_19 = arith.cmpf ogt, %add3A_17, %gt3A_18 : vector<1000x64xf32>
    %min3A = arith.constant 0.000000e+00 : f32
    %min3A_20 = vector.broadcast %min3A : f32 to vector<1000x64xf32>
    %min3A_21 = arith.minimumf %add3A_17, %min3A_20 : vector<1000x64xf32>
    %exp3A = math.exp %min3A_21 : vector<1000x64xf32>
    %sub3A = arith.constant 1.000000e+00 : f32
    %sub3A_22 = vector.broadcast %sub3A : f32 to vector<1000x64xf32>
    %sub3A_23 = arith.subf %exp3A, %sub3A_22 : vector<1000x64xf32>
    %select_n3A = arith.select %gt3A_19, %add3A_17, %sub3A_23 : vector<1000x64xi1>, vector<1000x64xf32>
    %get3A_24 = arith.constant 0 : index
    %get3A_25 = arith.constant 0 : index
    %get3A_26 = vector.load %arg4[%get3A_24, %get3A_25] : memref<64x16xf32, #tpu.memory_space<vmem>>, vector<64x16xf32>
    %dot_general3A_27 = arith.constant dense<0.000000e+00> : vector<1000x16xf32>
    %dot_general3A_28 = tpu.matmul %select_n3A, %get3A_26, %dot_general3A_27 {dimension_numbers = #tpu.dot_dimension_numbers<[1], [0], [0], [1], [0, 0, 1, 1], [], []>, transpose_lhs_hint = false} : vector<1000x64xf32>, vector<64x16xf32>, vector<1000x16xf32> -> vector<1000x16xf32>
    %get3A_29 = arith.constant 0 : index
    %get3A_30 = arith.constant 0 : index
    %get3A_31 = vector.load %arg5[%get3A_29, %get3A_30] : memref<1x16xf32, #tpu.memory_space<vmem>>, vector<1x16xf32>
    %mul3A = vector.broadcast %get3A_31 : vector<1x16xf32> to vector<1000x16xf32>
    %mul3A_32 = arith.mulf %dot_general3A_28, %mul3A : vector<1000x16xf32>
    %reduce_sum3A = arith.constant dense<0.000000e+00> : vector<1000xf32>
    %reduce_sum3A_33 = vector.multi_reduction <add>, %mul3A_32, %reduce_sum3A [1] : vector<1000x16xf32> to vector<1000xf32>
    %broadcast_in_dim3A = vector.shape_cast %reduce_sum3A_33 : vector<1000xf32> to vector<1000x1xf32>
    %get3A_34 = arith.constant 0 : index
    %get3A_35 = arith.constant 0 : index
    %get3A_36 = vector.load %arg6[%get3A_34, %get3A_35] : memref<1x16xf32, #tpu.memory_space<vmem>>, vector<1x16xf32>
    %mul3A_37 = vector.broadcast %get3A_36 : vector<1x16xf32> to vector<1000x16xf32>
    %mul3A_38 = arith.mulf %dot_general3A_28, %mul3A_37 : vector<1000x16xf32>
    %reduce_sum3A_39 = arith.constant dense<0.000000e+00> : vector<1000xf32>
    %reduce_sum3A_40 = vector.multi_reduction <add>, %mul3A_38, %reduce_sum3A_39 [1] : vector<1000x16xf32> to vector<1000xf32>
    %broadcast_in_dim3A_41 = vector.shape_cast %reduce_sum3A_40 : vector<1000xf32> to vector<1000x1xf32>
    %broadcast_in_dim3A_42 = vector.shape_cast %broadcast_in_dim3A : vector<1000x1xf32> to vector<1000x1xf32>
    %broadcast_in_dim3A_43 = vector.broadcast %broadcast_in_dim3A_42 : vector<1000x1xf32> to vector<1000x16xf32>
    %broadcast_in_dim3A_44 = vector.shape_cast %broadcast_in_dim3A_41 : vector<1000x1xf32> to vector<1000x1xf32>
    %broadcast_in_dim3A_45 = vector.broadcast %broadcast_in_dim3A_44 : vector<1000x1xf32> to vector<1000x16xf32>
    %broadcast_in_dim3A_46 = arith.constant 0.000000e+00 : f32
    %broadcast_in_dim3A_47 = vector.broadcast %broadcast_in_dim3A_46 : f32 to vector<1000x96xf32>
    %concatenate3A = tpu.concatenate %dot_general3A_28, %broadcast_in_dim3A_43, %broadcast_in_dim3A_47 in 1 : vector<1000x16xf32>, vector<1000x16xf32>, vector<1000x96xf32> -> vector<1000x128xf32>
    %swap3A = arith.constant 0 : index
    %swap3A_48 = arith.constant 0 : index
    %swap3A_49 = vector.load %arg8[%swap3A, %swap3A_48] : memref<1000x128xf32, #tpu.memory_space<vmem>>, vector<1000x128xf32>
    tpu.vector_store %arg8[%swap3A, %swap3A_48], %concatenate3A {strides = array<i32>} : memref<1000x128xf32, #tpu.memory_space<vmem>>, vector<1000x128xf32>,
    %broadcast_in_dim3A_50 = arith.constant 0.000000e+00 : f32
    %broadcast_in_dim3A_51 = vector.broadcast %broadcast_in_dim3A_50 : f32 to vector<1000x112xf32>
    %concatenate3A_52 = tpu.concatenate %broadcast_in_dim3A_45, %broadcast_in_dim3A_51 in 1 : vector<1000x16xf32>, vector<1000x112xf32> -> vector<1000x128xf32>
    %swap3A_53 = arith.constant 0 : index
    %swap3A_54 = arith.constant 0 : index
    %swap3A_55 = vector.load %arg9[%swap3A_53, %swap3A_54] : memref<1000x128xf32, #tpu.memory_space<vmem>>, vector<1000x128xf32>
    tpu.vector_store %arg9[%swap3A_53, %swap3A_54], %concatenate3A_52 {strides = array<i32>} : memref<1000x128xf32, #tpu.memory_space<vmem>>, vector<1000x128xf32>,
    return
  }
  func.func @transform_0(%arg0: i32) -> (i32, i32) {
    %c0_i32 = arith.constant 0 : i32
    %c0_i32_0 = arith.constant 0 : i32
    return %arg0, %c0_i32 : i32, i32
  }
  func.func @transform_1(%arg0: i32) -> (i32, i32) {
    %c0_i32 = arith.constant 0 : i32
    %c0_i32_0 = arith.constant 0 : i32
    return %arg0, %c0_i32 : i32, i32
  }
  func.func @transform_2(%arg0: i32) -> (i32, i32) {
    %c0_i32 = arith.constant 0 : i32
    %c0_i32_0 = arith.constant 0 : i32
    %c0_i32_1 = arith.constant 0 : i32
    return %c0_i32, %c0_i32_0 : i32, i32
  }
  func.func @transform_3(%arg0: i32) -> (i32, i32) {
    %c0_i32 = arith.constant 0 : i32
    %c0_i32_0 = arith.constant 0 : i32
    %c0_i32_1 = arith.constant 0 : i32
    return %c0_i32, %c0_i32_0 : i32, i32
  }
  func.func @transform_4(%arg0: i32) -> (i32, i32) {
    %c0_i32 = arith.constant 0 : i32
    %c0_i32_0 = arith.constant 0 : i32
    %c0_i32_1 = arith.constant 0 : i32
    return %c0_i32, %c0_i32_0 : i32, i32
  }
  func.func @transform_5(%arg0: i32) -> (i32, i32) {
    %c0_i32 = arith.constant 0 : i32
    %c0_i32_0 = arith.constant 0 : i32
    %c0_i32_1 = arith.constant 0 : i32
    return %c0_i32, %c0_i32_0 : i32, i32
  }
  func.func @transform_6(%arg0: i32) -> (i32, i32) {
    %c0_i32 = arith.constant 0 : i32
    %c0_i32_0 = arith.constant 0 : i32
    %c0_i32_1 = arith.constant 0 : i32
    return %c0_i32, %c0_i32_0 : i32, i32
  }
  func.func @transform_7(%arg0: i32) -> (i32, i32) {
    %c0_i32 = arith.constant 0 : i32
    %c0_i32_0 = arith.constant 0 : i32
    return %arg0, %c0_i32 : i32, i32
  }
  func.func @transform_8(%arg0: i32) -> (i32, i32) {
    %c0_i32 = arith.constant 0 : i32
    %c0_i32_0 = arith.constant 0 : i32
    return %arg0, %c0_i32 : i32, i32
  }
}

module attributes {stable_mosaic.version = 14 : i64} {
  func.func @_final_body(%arg0: i32, %arg1: memref<1000x32xf32, #tpu.memory_space<vmem>>, %arg2: memref<1000x32xf32, #tpu.memory_space<vmem>>, %arg3: memref<1x16xf32, #tpu.memory_space<vmem>>, %arg4: memref<1000x16xf32, #tpu.memory_space<vmem>>) attributes {dimension_semantics = [#tpu.dimension_semantics<arbitrary>], iteration_bounds = array<i64: 10>, scalar_prefetch = 0 : i64, scratch_operands = 0 : i64, tpu.core_type = #tpu.core_type<tc>, window_params = [{transform_indices = @transform_0, window_bounds = array<i64: 1000, 32>}, {transform_indices = @transform_1, window_bounds = array<i64: 1000, 32>}, {pipeline_mode = #tpu.pipeline_mode<synchronous>, transform_indices = @transform_2, window_bounds = array<i64: 1, 16>}, {transform_indices = @transform_3, window_bounds = array<i64: 1000, 16>}]} {
    %get3A = arith.constant 0 : index
    %get3A_0 = arith.constant 0 : index
    %get3A_1 = vector.load %arg1[%get3A, %get3A_0] : memref<1000x32xf32, #tpu.memory_space<vmem>>, vector<1000x32xf32>
    %get3A_2 = arith.constant 0 : index
    %get3A_3 = arith.constant 0 : index
    %get3A_4 = vector.load %arg2[%get3A_2, %get3A_3] : memref<1000x32xf32, #tpu.memory_space<vmem>>, vector<1000x32xf32>
    %add3A = arith.addf %get3A_1, %get3A_4 : vector<1000x32xf32>
    %slice3A = vector.extract_strided_slice %add3A {offsets = [0, 0], sizes = [1000, 16], strides = [1, 1]} : vector<1000x32xf32> to vector<1000x16xf32>
    %slice3A_5 = vector.extract_strided_slice %add3A {offsets = [0, 16], sizes = [1000, 1], strides = [1, 1]} : vector<1000x32xf32> to vector<1000x1xf32>
    %add3A_6 = arith.constant 9.99999971E-10 : f32
    %add3A_7 = vector.broadcast %add3A_6 : f32 to vector<1000x1xf32>
    %add3A_8 = arith.addf %slice3A_5, %add3A_7 : vector<1000x1xf32>
    %div3A = vector.broadcast %add3A_8 : vector<1000x1xf32> to vector<1000x16xf32>
    %div3A_9 = arith.divf %slice3A, %div3A : vector<1000x16xf32>
    %get3A_10 = arith.constant 0 : index
    %get3A_11 = arith.constant 0 : index
    %get3A_12 = vector.load %arg3[%get3A_10, %get3A_11] : memref<1x16xf32, #tpu.memory_space<vmem>>, vector<1x16xf32>
    %add3A_13 = vector.broadcast %get3A_12 : vector<1x16xf32> to vector<1000x16xf32>
    %add3A_14 = arith.addf %div3A_9, %add3A_13 : vector<1000x16xf32>
    %reduce_max3A = arith.constant dense<0xFF800000> : vector<1000xf32>
    %reduce_max3A_15 = vector.multi_reduction <maximumf>, %add3A_14, %reduce_max3A [1] : vector<1000x16xf32> to vector<1000xf32>
    %broadcast_in_dim3A = vector.shape_cast %reduce_max3A_15 : vector<1000xf32> to vector<1000x1xf32>
    %sub3A = vector.broadcast %broadcast_in_dim3A : vector<1000x1xf32> to vector<1000x16xf32>
    %sub3A_16 = arith.subf %add3A_14, %sub3A : vector<1000x16xf32>
    %exp3A = math.exp %sub3A_16 : vector<1000x16xf32>
    %reduce_sum3A = arith.constant dense<0.000000e+00> : vector<1000xf32>
    %reduce_sum3A_17 = vector.multi_reduction <add>, %exp3A, %reduce_sum3A [1] : vector<1000x16xf32> to vector<1000xf32>
    %broadcast_in_dim3A_18 = vector.shape_cast %reduce_sum3A_17 : vector<1000xf32> to vector<1000x1xf32>
    %log3A = math.log %broadcast_in_dim3A_18 : vector<1000x1xf32>
    %sub3A_19 = vector.broadcast %log3A : vector<1000x1xf32> to vector<1000x16xf32>
    %sub3A_20 = arith.subf %sub3A_16, %sub3A_19 : vector<1000x16xf32>
    %swap3A = arith.constant 0 : index
    %swap3A_21 = arith.constant 0 : index
    %swap3A_22 = vector.load %arg4[%swap3A, %swap3A_21] : memref<1000x16xf32, #tpu.memory_space<vmem>>, vector<1000x16xf32>
    tpu.vector_store %arg4[%swap3A, %swap3A_21], %sub3A_20 {strides = array<i32>} : memref<1000x16xf32, #tpu.memory_space<vmem>>, vector<1000x16xf32>,
    return
  }
  func.func @transform_0(%arg0: i32) -> (i32, i32) {
    %c0_i32 = arith.constant 0 : i32
    %c0_i32_0 = arith.constant 0 : i32
    return %arg0, %c0_i32 : i32, i32
  }
  func.func @transform_1(%arg0: i32) -> (i32, i32) {
    %c0_i32 = arith.constant 0 : i32
    %c0_i32_0 = arith.constant 0 : i32
    return %arg0, %c0_i32 : i32, i32
  }
  func.func @transform_2(%arg0: i32) -> (i32, i32) {
    %c0_i32 = arith.constant 0 : i32
    %c0_i32_0 = arith.constant 0 : i32
    %c0_i32_1 = arith.constant 0 : i32
    return %c0_i32, %c0_i32_0 : i32, i32
  }
  func.func @transform_3(%arg0: i32) -> (i32, i32) {
    %c0_i32 = arith.constant 0 : i32
    %c0_i32_0 = arith.constant 0 : i32
    return %arg0, %c0_i32 : i32, i32
  }
}

</mosaic_0001>

<sc_bundles>
// kernel: kernel.10.cloned.1.call-start
scs
__scs_entry_jumppad:
0x0: {  	(pc) =	sbr.rel $0x88, $3  }
0x1: {  	(tag) =	ssettag $0x0;
	lr =	simm.s32 $0x1  }
0x2: {  	[smem:$0x3F97] =	sst lr;
	_ =	strace $0xD0000000  }
0x3: {  	_ = 	snop  }
0x4: {  	_ = 	snop  }
0x5: {  	_ = 	snop  }
0x6: {  	_ = 	snop  }
0x7: {  	_ = 	snop  }
__scs_overlays_trampoline_lowered:
0x8: {  	[smem:$0x3FA6] =	sst s0  }
0x9: {  	[smem:$0x3FA7] =	sst s1  }
0xa: {  	[smem:$0x3FA8] =	sst s2  }
0xb: {  	[smem:$0x3FA9] =	sst s3  }
0xc: {  	[smem:$0x3FAA] =	sst s4  }
0xd: {  	[smem:$0x3FAB] =	sst s5  }
0xe: {  	[smem:$0x3FAC] =	sst s6  }
0xf: {  	[smem:$0x3FAD] =	sst s7  }
0x10: {  	[smem:$0x3FAE] =	sst s8  }
0x11: {  	[smem:$0x3FAF] =	sst s9;
	s0 =	simm.s32 @!p0 $0x0  }
0x12: {  	s1 =	sld [smem:$0x3F95];
	s0 =	simm.s32 @p0 $0x1  }
0x13: {  	[smem:$0x3FB0] =	sst s0;
	s0 =	simm.s32 @!p1 $0x0  }
0x14: {  	s2 =	sld [smem:$0x3F94];
	s0 =	simm.s32 @p1 $0x1  }
0x15: {  	[smem:$0x3FB1] =	sst s0;
	s0 =	simm.s32 @!p2 $0x0  }
0x16: {  	s3 =	sld [smem:$0x3FDB];
	s0 =	simm.s32 @p2 $0x1  }
0x17: {  	s4 =	simm.s32 $0x1BF5;
	[smem:$0x3FB3] =	sst s0  }
0x18: {  	s0 =	sld [smem:$0x3F96];
	_ =	swait.ge [sflag:s4], $0x0  }
0x19: {  	s7 =	sld [smem:$0x3F97]  }
0x1a: {  	s8 =	sadd.s32 $0xFFFFE003, lr  }
0x1b: {  	s9 =	sadd.s32 $0xFFFFFEF7, lr;
	s5 =	simm.s32 $0xFFFFFFFF;
	p2 =	slt.u32 s8, $0xFFFFF086  }
0x1c: {  	p1 =	slt.u32 s9, $0xF7A;
	s5 =	simm.s32 @!p2 $0x0  }
0x1d: {  	s5 =	simm.s32 @p1 $0x1;
	p0 =	seq.s32 s7, s2  }
0x1e: {  	s7 =	smul.u32 @!p0 $0xF7A, s2;
	p2 =	seq.s32 @!p0 s5, $0x0  }
0x1f: {  	s9 =	smul.u32 $0xF7A, s1;
	s8 =	simm.s32 @!p0 $0x1BF5;
	p2 =	por !p2, p0  }
0x20: {  	[sflag:s8] =	ssyncset.s32 @!p0 $0xFFFFF086;
	s6 =	sadd.s32 @!p0 s3, s7;
	s7 =	simm.s32 @!p0 $0x108  }
0x21: {  	s3 =	sadd.s32 s3, s9;
	s6 =	sadd.s32 @!p0 $0x88, s6;
	s7 =	simm.s32 @p2 $0x1082  }
0x22: {  	[simem:s7], [sflag:s8] =	dma.local @!p0 [hbm:s6], $0xF7A  }
0x23: {  	s9 =	sor.u32 $0xD0000000, s2;
	s6 =	simm.s32 $0x108;
	_ =	swait.ge @!p0 [sflag:s8], $0x0  }
0x24: {  	s3 =	sadd.s32 $0x88, s3;
	s6 =	simm.s32 @!p1 $0x1082;
	[sflag:s4] =	ssyncset.s32 $0xFFFFF086  }
0x25: {  	[simem:s6], [sflag:s4] =	dma.local [hbm:s3], $0xF7A  }
0x26: {  	[smem:$0x3F97] =	sst s1;
	(tag) =	ssettag s2;
	_ =	strace s9  }
0x27: {  	s1 =	sld [smem:$0x3FA7]  }
0x28: {  	s2 =	sld [smem:$0x3FA8]  }
0x29: {  	s4 =	sld [smem:$0x3FAA]  }
0x2a: {  	p0 =	seq.s32 s5, $0x0;
	s5 =	sld [smem:$0x3FAB]  }
0x2b: {  	s6 =	sld [smem:$0x3FAC]  }
0x2c: {  	s7 =	sld [smem:$0x3FAD]  }
0x2d: {  	s3 =	simm.s32 $0x108;
	s8 =	sld [smem:$0x3FAE]  }
0x2e: {  	s3 =	simm.s32 @!p0 $0x1082;
	s9 =	sld [smem:$0x3FAF]  }
0x2f: {  	lr =	sadd.s32 s0, s3;
	s0 =	sld [smem:$0x3FA6]  }
0x30: {  	s3 =	sld [smem:$0x3FA9]  }
0x31: {  	[smem:$0x3FB2] =	sst s10  }
0x32: {  	s10 =	sld [smem:$0x3FB0];
	_ =	sdelay $0x3  }
0x33: {  	p0 =	seq.s32 s10, $0x1;
	s10 =	sld [smem:$0x3FB2];
	_ =	sdelay $0x3  }
0x34: {  	[smem:$0x3FB2] =	sst s10  }
0x35: {  	s10 =	sld [smem:$0x3FB1];
	_ =	sdelay $0x3  }
0x36: {  	p1 =	seq.s32 s10, $0x1;
	s10 =	sld [smem:$0x3FB2];
	_ =	sdelay $0x3  }
0x37: {  	[smem:$0x3FB2] =	sst s10  }
0x38: {  	s10 =	sld [smem:$0x3FB3]  }
0x39: {  	_ = 	snop;
	(pc) =	sbr.ind lr, $3  }
0x3a: {  	_ = 	snop  }
0x3b: {  	_ = 	snop  }
0x3c: {  	p2 =	seq.s32 s10, $0x1;
	s10 =	sld [smem:$0x3FB2]  }
0x3d: {  	_ =	shalt  }
0x3e: {  	_ =	shalt  }
0x3f: {  	_ =	shalt  }
0x40: {  	_ =	shalt  }
0x41: {  	_ =	shalt  }
0x42: {  	_ =	shalt  }
0x43: {  	_ =	shalt  }
0x44: {  	_ =	shalt  }
0x45: {  	_ =	shalt  }
0x46: {  	_ =	shalt  }
0x47: {  	_ =	shalt  }
0x48: {  	_ =	shalt  }
0x49: {  	_ =	shalt  }
0x4a: {  	_ =	shalt  }
0x4b: {  	_ =	shalt  }
0x4c: {  	_ =	shalt  }
0x4d: {  	_ =	shalt  }
0x4e: {  	_ =	shalt  }
0x4f: {  	_ =	shalt  }
0x50: {  	_ =	shalt  }
0x51: {  	_ =	shalt  }
0x52: {  	_ =	shalt  }
0x53: {  	_ =	shalt  }
0x54: {  	_ =	shalt  }
0x55: {  	_ =	shalt  }
0x56: {  	_ =	shalt  }
0x57: {  	_ =	shalt  }
0x58: {  	_ =	shalt  }
0x59: {  	_ =	shalt  }
0x5a: {  	_ =	shalt  }
0x5b: {  	_ =	shalt  }
0x5c: {  	_ =	shalt  }
0x5d: {  	_ =	shalt  }
0x5e: {  	_ =	shalt  }
0x5f: {  	_ =	shalt  }
0x60: {  	_ =	shalt  }
0x61: {  	_ =	shalt  }
0x62: {  	_ =	shalt  }
0x63: {  	_ =	shalt  }
0x64: {  	_ =	shalt  }
0x65: {  	_ =	shalt  }
0x66: {  	_ =	shalt  }
0x67: {  	_ =	shalt  }
0x68: {  	_ =	shalt  }
0x69: {  	_ =	shalt  }
0x6a: {  	_ =	shalt  }
0x6b: {  	_ =	shalt  }
0x6c: {  	_ =	shalt  }
0x6d: {  	_ =	shalt  }
0x6e: {  	_ =	shalt  }
0x6f: {  	_ =	shalt  }
0x70: {  	_ =	shalt  }
0x71: {  	_ =	shalt  }
0x72: {  	_ =	shalt  }
0x73: {  	_ =	shalt  }
0x74: {  	_ =	shalt  }
0x75: {  	_ =	shalt  }
0x76: {  	_ =	shalt  }
0x77: {  	_ =	shalt  }
0x78: {  	_ =	shalt  }
0x79: {  	_ =	shalt  }
0x7a: {  	_ =	shalt  }
0x7b: {  	_ =	shalt  }
0x7c: {  	_ =	shalt  }
0x7d: {  	_ =	shalt  }
0x7e: {  	_ =	shalt  }
0x7f: {  	_ =	shalt  }
0x80: {  	_ =	shalt  }
0x81: {  	_ =	shalt  }
0x82: {  	_ =	shalt  }
0x83: {  	_ =	shalt  }
0x84: {  	_ =	shalt  }
0x85: {  	_ =	shalt  }
0x86: {  	_ =	shalt  }
0x87: {  	_ =	shalt  }
.Lfunc_end0:
.L_simem_size_0:
called_computation.1_lowered:
.L_overlay_start_0:
0x88: {  	s2 =	sld [smem:$0x3FD9]  }
0x89: {  	s3 =	sld [smem:$0x3FFE];
	_ =	sdelay $0x1  }
0x8a: {  	s1 =	srdreg.scid  }
0x8b: {  	s0 =	sand.u32 $0x1, s1  }
0x8c: {  	s16 =	sshll.u32 s0, $0xA;
	s2 =	sadd.s32 s3, s2  }
0x8d: {  	s2 =	sadd.s32 s2, s16  }
0x8e: {  	[smem:$0x3FBE] =	sst s2  }
0x8f: {  	_ = 	snop  }
0x90: {  	(tm) =	ssettm $0x1  }
0x91: {  	s17 =	sld [smem:$0x3FFB];
	_ =	sdelay $0x3  }
0x92: {  	_ =	strace s17  }
0x93: {  	s2 =	sld [smem:$0x3FFC];
	_ =	sdelay $0x3  }
0x94: {  	_ =	strace s2  }
0x95: {  	s2 =	sld [smem:$0x3FFD];
	_ =	sdelay $0x3  }
0x96: {  	_ =	strace s2  }
0x97: {  	_ =	strace $0x8FFFFFFF  }
0x98: {  	s18 =	sld [smem:$0x3FDB];
	_ =	sdelay $0x1  }
0x99: {  	s19 =	simm.s32 $_scs_section_size  }
0x9a: {  	s4 =	simm.s32 $_size__tile_overlayer_lowered;
	s5 =	simm.s32 $_tile_overlayer_lowered  }
0x9b: {  	s22 =	simm.s32 $0x1BFF;
	s21 =	sshll.u32 s5, $0x1;
	s2 =	sadd.s32 s19, s18  }
0x9c: {  	s6 =	simm.s32 $0x0;
	s20 =	sshll.u32 s4, $0x1;
	s4 =	sadd.s32 s21, s2  }
0x9d: {  	[timem:s6], [sflag:s22] =	dma.local [hbm:s4], s20  }
0x9e: {  	_ =	swait.ge [sflag:s22], s20  }
0x9f: {  	s3 =	ssub.s32 $0x0, s20;
	[sflag:s22] =	ssyncset.done $0x0  }
0xa0: {  	[sflag:s22] =	ssyncadd.s32 s3;
	_ =	sdelay $0x1  }
0xa1: {  	s23 =	simm.s32 $0x1B8B  }
0xa2: {  	_ =	swait.ge [sflag:s23], $0x1  }
0xa3: {  	[sflag:s23] =	ssyncset.done $0x0  }
0xa4: {  	s25 =	simm.s32 $0x1B8E;
	s24 =	sld [smem:$0x3FFE];
	[sflag:s23] =	ssyncadd.s32 $0xFFFFFFFF  }
0xa5: {  	s26 =	simm.s32 $execute0_lowered;
	[smem:$0x3FD2] =	sst s25  }
0xa6: {  	s4 =	sshll.u32 s26, $0x1;
	_ =	strace $0x80000049;
	[dreg:$0x1] =	wrdreg $0xFFFFFFFF  }
0xa7: {  	s28 =	simm.s32 $_size_execute0_lowered;
	s2 =	sadd.s32 s2, s4;
	[dreg:$0x0] =	wrdreg $0x0  }
0xa8: {  	s4 =	sshll.u32 s28, $0x1;
	[dreg:$0x2] =	wrdreg s2  }
0xa9: {  	[dreg:$0x3] =	wrdreg s4  }
0xaa: {  	[dreg:$0x4] =	wrdreg $0xC0  }
0xab: {  	_ =	task [dreg:s6], $0x5FFFF  }
0xac: {  	[dreg:$0x1] =	wrdreg $0xFFFFFFFF  }
0xad: {  	[dreg:$0x0] =	wrdreg $0x60  }
0xae: {  	[dreg:$0x2] =	wrdreg s24  }
0xaf: {  	[dreg:$0x3] =	wrdreg $0x79000  }
0xb0: {  	[dreg:$0x4] =	wrdreg $0x9  }
0xb1: {  	_ =	task.clear_ibuf [dreg:s6], $0x5FFFF;
	_ =	strace $0x90000049  }
0xb2: {  	s29 =	simm.s32 $0x9;
	_ =	strace $0x8000004B  }
0xb3: {  	_ =	swait.ge [sflag:s29], $0x1  }
0xb4: {  	[sflag:s29] =	ssyncadd.s32 $0xFFFFFFFF  }
0xb5: {  	_ =	strace $0x9000004B  }
0xb6: {  	_ =	sfence  }
0xb7: {  	s30 =	sld [smem:$0x0];
	_ =	sdelay $0x2  }
0xb8: {  	s31 =	sshll.u32 s1, $0xD;
	s1 =	sshrl.u32 s1, $0x2  }
0xb9: {  	s3 =	sand.u32 $0x4000, s31;
	s1 =	sadd.s32 s1, s30  }
0xba: {  	s0 =	sor.u32 s3, s0;
	s1 =	sshll.u32 s1, $0x11  }
0xbb: {  	s0 =	sor.u32 s1, s0  }
0xbc: {  	s0 =	sadd.s32 $0x8F2B, s0  }
0xbd: {  	[sflag:s0] =	ssyncadd.remote.s32 $0x1  }
0xbe: {  	_ =	sfence.sel $0xFFFF  }
0xbf: {  	[dreg:$0x0] =	wrdreg $0xFFFFFFFF;
	(pc) =	sbr.abs _section_cstart, $3  }
0xc0: {  	[dreg:$0x1] =	wrdreg $0xFFFFFFFF  }
0xc1: {  	_ =	task.clear_ibuf [dreg:s6], $0x2FFFF;
	_ =	strace $0x9FFFFFFF  }
0xc2: {  	(tm) =	ssettm $0x7FFFFFFF  }
0xc3: {  	_ =	shalt  }
tec
execute0_lowered:
.L_overlay_start_1:
0x0: {  	(tag) =	ssettag $0x1  }
0x1: {  	s0 =	rddreg [dreg:$0x0]  }
0x2: {  	s1 =	rddreg [dreg:$0x1];
	s2 =	simm.s32 $0x0  }
0x3: {  	s3 =	srdreg.scid;
	s18 =	stileid.u32;
	s17 =	simm.s32 $0x3  }
0x4: {  	s19 =	simm.s32 $0x50;
	s20 =	simm.s32 $0x100;
	s28 =	simm.s32 $0x5100  }
0x5: {  	s29 =	simm.s32 $0x0;
	[smem:$0x7FF] =	sst s2;
	s4 =	sadd.s32 $0xC000, s0  }
0x6: {  	s5 =	sadd.s32 $0x2200, s0;
	s6 =	sadd.s32 $0x15E00, s0;
	s3 =	sand.u32 $0x1, s3  }
0x7: {  	s7 =	sadd.s32 $0x3D000, s0;
	s9 =	smul.u32 $0x4E000, s18;
	s0 =	sadd.s32 $0x64200, s0  }
0x8: {  	s21 =	sshll.u32 s18, $0x1;
	s12 =	smul.u32 $0x13800, s18;
	s23 =	sshll.u32 s18, $0xA  }
0x9: {  	p0 =	sgt.u32 s18, $0x1;
	s18 =	simm.s32 $0x80;
	_ =	strace $0x8000004A  }
0xa: {  	s8 =	ssub.s32 $0x2, s3;
	s11 =	smul.u32 $0x138800, s3;
	s3 =	sor.u32 s3, s21  }
0xb: {  	s24 =	sadd.s32 s23, s1;
	s21 =	simm.s32 $0x2900;
	s10 =	sshrl.u32 s8, $0x1  }
0xc: {  	s22 =	sshrl.u32 s9, $0x2;
	s14 =	sadd.s32 $0x6800, s12;
	s16 =	sadd.s32 $0xD000, s12  }
0xd: {  	s9 =	sor.u32 $0x138000, s23;
	s15 =	ssub.s32 s8, s10;
	s8 =	sadd.s32 s22, s1  }
0xe: {  	s13 =	sadd.s32 s12, s11;
	s10 =	sadd.s32 $0x138000, s24;
	s26 =	sadd.s32 s11, s14  }
0xf: {  	s30 =	sadd.s32 s11, s16;
	s11 =	sadd.s32 s11, s9;
	s23 =	sadd.s32 s14, s1  }
0x10: {  	s31 =	sadd.s32 s16, s1;
	s16 =	simm.s32 $0xC720;
	s22 =	simm.s32 $0x1  }
0x11: {  	[dreg:$0x3] =	wrdreg s10;
	s13 =	sshrl.u32 s13, $0x3;
	s10 =	smul.u32 $0x2710, s3  }
0x12: {  	s3 =	sshrl.u32 s26, $0x3;
	s11 =	sshrl.u32 s11, $0x3;
	s15 =	smax.u32 s15, $0x1  }
0x13: {  	s23 =	sshrl.u32 s23, $0x3;
	s24 =	sshrl.u32 s31, $0x3;
	s3 =	sadd.s32 s0, s3  }
0x14: {  	s25 =	sadd.s32 s0, s13;
	[dreg:$0x5] =	wrdreg s3;
	s3 =	sshrl.u32 s30, $0x3  }
0x15: {  	s14 =	sadd.s32 s0, s11;
	s13 =	sadd.s32 s0, s3;
	s0 =	sadd.s32 s9, s1  }
0x16: {  	v0 =	vimm.f32 $0.0e+00;
	s26 =	simm.s32 $0x2;
	[dreg:$0x4] =	wrdreg s25;
	s25 =	sshrl.u32 @!p0 s0, $0x3  }
.LBB2_1:
0x17: {  	[tilespmem:$0xC720] =	vst v0  }
0x18: {  	[tilespmem:$0xC730] =	vst v0  }
0x19: {  	[tilespmem:$0xC7A0] =	vst v0  }
0x1a: {  	[tilespmem:$0xC7B0] =	vst v0  }
0x1b: {  	[tilespmem:$0xC820] =	vst v0  }
0x1c: {  	[tilespmem:$0xC830] =	vst v0  }
0x1d: {  	[tilespmem:$0xC8A0] =	vst v0  }
0x1e: {  	[tilespmem:$0xC8B0] =	vst v0  }
0x1f: {  	[tilespmem:$0xC920] =	vst v0  }
0x20: {  	[tilespmem:$0xC930] =	vst v0  }
0x21: {  	[tilespmem:$0xC9A0] =	vst v0  }
0x22: {  	[tilespmem:$0xC9B0] =	vst v0  }
0x23: {  	[tilespmem:$0xCA20] =	vst v0  }
0x24: {  	[tilespmem:$0xCA30] =	vst v0  }
0x25: {  	[tilespmem:$0xCAA0] =	vst v0  }
0x26: {  	[tilespmem:$0xCAB0] =	vst v0  }
0x27: {  	[tilespmem:$0xCB20] =	vst v0  }
0x28: {  	[tilespmem:$0xCB30] =	vst v0  }
0x29: {  	[tilespmem:$0xCBA0] =	vst v0  }
0x2a: {  	[tilespmem:$0xCBB0] =	vst v0  }
0x2b: {  	[tilespmem:$0xCC20] =	vst v0  }
0x2c: {  	[tilespmem:$0xCC30] =	vst v0  }
0x2d: {  	[tilespmem:$0xCCA0] =	vst v0  }
0x2e: {  	[tilespmem:$0xCCB0] =	vst v0  }
0x2f: {  	[tilespmem:$0xCD20] =	vst v0  }
0x30: {  	[tilespmem:$0xCD30] =	vst v0  }
0x31: {  	[tilespmem:$0xCDA0] =	vst v0  }
0x32: {  	[tilespmem:$0xCDB0] =	vst v0  }
0x33: {  	[tilespmem:$0xCE20] =	vst v0  }
0x34: {  	[tilespmem:$0xCE30] =	vst v0  }
0x35: {  	[tilespmem:$0xCEA0] =	vst v0  }
0x36: {  	[tilespmem:$0xCEB0] =	vst v0;
	s0 =	sadd.s32 $0x0, s8  }
0x37: {  	[spmem:s0] =	stream.linear.scatter [tilespmem:s16], [sflag:$0x3], $0x800, $0x38;
	[tilespmem:$0xCF20] =	vst v63  }
0x38: {  	s0 =	simm.s32 $0x2000;
	_ =	swait.ge [sflag:s17], $0x800  }
.LBB2_2:
0x39: {  	s3 =	sshra.s32 s0, $0x2;
	[sflag:s17] =	ssyncset.done $0x0;
	p1 =	sne.s32 s0, $0x4C000  }
.Ltmp0:
0x3a: {  	s3 =	sadd.s32 s3, s8;
	[sflag:s17] =	ssyncadd.s32 $0xFFFFF800;
	(pc) =	sbr.rel @p1 .LBB2_2-.Ltmp0, $3  }
0x3b: {  	[spmem:s3] =	stream.linear.scatter [tilespmem:s16], [sflag:$0x3], $0x800, $0x38;
	[tilespmem:$0xCF20] =	vst v63  }
0x3c: {  	s0 =	sadd.s32 $0x2000, s0;
	_ =	sdelay $0x1  }
0x3d: {  	_ =	swait.ge [sflag:s17], $0x800  }
0x3e: {  	[sflag:s17] =	ssyncset.done $0x0  }
0x3f: {  	s0 =	simm.s32 @!p0 $0xC720;
	s3 =	rddreg [dreg:$0x3];
	[sflag:s17] =	ssyncadd.s32 $0xFFFFF800  }
0x40: {  	[spmem:s3] =	stream.linear.scatter @!p0 [tilespmem:s0], [sflag:$0x3], $0x400, $0x38;
	[tilespmem:$0xCF20] =	vst v63  }
0x41: {  	s0 =	simm.s32 @!p0 $0x3  }
0x42: {  	_ =	swait.ge @!p0 [sflag:s0], $0x400  }
0x43: {  	[sflag:s0] =	ssyncset.done @!p0 $0x0  }
0x44: {  	[sflag:s0] =	ssyncadd.s32 @!p0 $0xFFFFFC00  }
0x45: {  	s30 =	simm.s32 $0x0;
	[bflag:$0x0] =	sbarrier.arrive $0xFFFF  }
.LBB2_4:
0x46: {  	s0 =	smul.u32 $0x50, s30;
	_ =	sdelay $0x1  }
0x47: {  	s0 =	sadd.s32 s10, s0  }
0x48: {  	s0 =	sshrl.u32 s0, $0x3  }
0x49: {  	s3 =	sadd.s32 s4, s0  }
0x4a: {  	[tilespmem:s29], [sflag:$0x3] =	stream.linear.gather [hbm4b:s3+s29], $0x50, $0x38;
	[tilespmem:$0xCF20] =	vst v63  }
0x4b: {  	_ =	swait.ge [sflag:s17], $0x50  }
0x4c: {  	[sflag:s17] =	ssyncset.done $0x0  }
0x4d: {  	s0 =	sadd.s32 s5, s0;
	[sflag:s17] =	ssyncadd.s32 $0xFFFFFFB0  }
0x4e: {  	[tilespmem:s18], [sflag:$0x3] =	stream.linear.gather [hbm4b:s0+s29], $0x50, $0x38;
	[tilespmem:$0xCF20] =	vst v63  }
0x4f: {  	_ =	swait.ge [sflag:s17], $0x50  }
0x50: {  	[sflag:s17] =	ssyncset.done $0x0  }
0x51: {  	[sflag:s17] =	ssyncadd.s32 $0xFFFFFFB0  }
0x52: {  	[tilespmem:s20], [sflag:$0x1] =	stream.indirect.gather [hbm4b:s6+s19], $0x80, s29, s19, $0xb8;
	[tilespmem:$0xCF20] =	vst v63  }
0x53: {  	_ = 	snop  }
0x54: {  	[tilespmem:s21], [sflag:$0x2] =	stream.indirect.gather [hbm4b:s7+s19], $0x80, s18, s19, $0xb8;
	[tilespmem:$0xCF20] =	vst v63  }
0x55: {  	_ =	swait.ge [sflag:s22], $0x2800  }
0x56: {  	[sflag:s22] =	ssyncset.done $0x0  }
0x57: {  	[sflag:s22] =	ssyncadd.s32 $0xFFFFD800  }
0x58: {  	_ =	swait.ge [sflag:s26], $0x2800  }
0x59: {  	[sflag:s26] =	ssyncset.done $0x0  }
0x5a: {  	s0 =	simm.s32 $0x0;
	[sflag:s26] =	ssyncadd.s32 $0xFFFFD800  }
0x5b: {  	v1 =	vld [tilespmem:s0+$0x110]  }
0x5c: {  	v2 =	vld [tilespmem:s0+$0x2900];
	_ =	sdelay $0x4  }
0x5d: {  	s31 =	simm.s32 $0x80;
	v1 =	vadd.f32 v2, v1  }
0x5e: {  	v3 =	vld [tilespmem:s31+$0x110]  }
0x5f: {  	v4 =	vld [tilespmem:s31+$0x2900];
	v2 =	vmul.f32 $2.000000030e-01, v1  }
0x60: {  	vm0 =	vgt.f32 v1, $0.0e+00  }
0x61: {  	v1 =	vsel vm0, v1, v2  }
0x62: {  	s3 =	simm.s32 $0x100;
	v1 =	vmul.f32 $1.442695020e+00, v1  }
0x63: {  	v5 =	vld [tilespmem:s3+$0x2900]  }
0x64: {  	v2 =	vld [tilespmem:s3+$0x110];
	(erf) = vpow2.f32 v1;
	v1 =	vadd.f32 v4, v3;
	_ =	sdelay $0x1  }
0x65: {  	v3 =	vmul.f32 $2.000000030e-01, v1  }
0x66: {  	vm14 =	vgt.f32 v1, $0.0e+00  }
0x67: {  	s9 =	simm.s32 $0x180;
	v1 =	vsel vm14, v1, v3  }
0x68: {  	v4 =	vadd.f32 v5, v2;
	v2 =	vld [tilespmem:s9+$0x110];
	v3 =	vmul.f32 $1.442695020e+00, v1  }
0x69: {  	v1 =	vld [tilespmem:s0+$0x100]  }
0x6a: {  	(erf) = vpow2.f32 v3;
	v3 =	vld [tilespmem:s9+$0x2900]  }
0x6b: {  	v5 =	vmul.f32 $2.000000030e-01, v4  }
0x6c: {  	vm15 =	vgt.f32 v4, $0.0e+00  }
0x6d: {  	s11 =	simm.s32 $0x800;
	v5 =	vsel vm15, v4, v5;
	v4 =	vpop (erf)  }
.LBB2_5:
0x6e: {  	s12 =	sshra.s32 s11, $0x2;
	v5 =	vmul.f32 $1.442695020e+00, v5;
	v6 =	vmul.f32 v4, v1;
	v1 =	vld [tilespmem:s31+$0x100];
	[tilespmem:s0+$0x5110] =	vst v4;
	p1 =	sne.s32 s11, $0x9E00  }
.Ltmp1:
0x6f: {  	s11 =	sadd.s32 $0x200, s11;
	v4 =	vadd.f32 v3, v2;
	v2 =	vld [tilespmem:s12+$0x110];
	(pc) =	sbr.rel @p1 .LBB2_5-.Ltmp1, $4  }
0x70: {  	v3 =	vld [tilespmem:s12+$0x2900];
	(erf) = vpow2.f32 v5;
	[tilespmem:s0+$0x5100] =	vst v6;
	s0 =	smov.u32 s31;
	s31 =	smov.u32 s3;
	s3 =	smov.u32 s9  }
0x71: {  	s9 =	smov.u32 s12;
	v5 =	vmul.f32 $2.000000030e-01, v4  }
0x72: {  	vm0 =	vgt.f32 v4, $0.0e+00  }
0x73: {  	v5 =	vsel vm0, v4, v5;
	v4 =	vpop (erf)  }
0x74: {  	_ = 	snop  }
0x75: {  	v2 =	vadd.f32 v3, v2;
	_ =	sdelay $0x1  }
0x76: {  	v3 =	vmul.f32 $2.000000030e-01, v2  }
0x77: {  	vm0 =	vgt.f32 v2, $0.0e+00  }
0x78: {  	v5 =	vmul.f32 $1.442695020e+00, v5;
	v2 =	vsel vm0, v2, v3  }
0x79: {  	v3 =	vld [tilespmem:s31+$0x100];
	v2 =	vmul.f32 $1.442695020e+00, v2  }
0x7a: {  	(erf) = vpow2.f32 v5;
	_ =	sdelay $0x1  }
0x7b: {  	v1 =	vmul.f32 v4, v1;
	(erf) = vpow2.f32 v2  }
0x7c: {  	[tilespmem:s0+$0x5110] =	vst v4;
	v2 =	vpop (erf)  }
0x7d: {  	[tilespmem:s0+$0x5100] =	vst v1;
	v3 =	vmul.f32 v2, v3  }
0x7e: {  	v1 =	vld [tilespmem:s3+$0x100];
	[tilespmem:s31+$0x5110] =	vst v2  }
0x7f: {  	[tilespmem:s31+$0x5100] =	vst v3  }
0x80: {  	v2 =	vld [tilespmem:s9+$0x100];
	_ =	sdelay $0x1  }
0x81: {  	v3 =	vpop (erf)  }
0x82: {  	v1 =	vmul.f32 v3, v1  }
0x83: {  	[tilespmem:s3+$0x5110] =	vst v3;
	v3 =	vpop (erf)  }
0x84: {  	s30 =	sadd.s32 $0x1, s30;
	[tilespmem:s3+$0x5100] =	vst v1;
	v1 =	vmul.f32 v3, v2  }
0x85: {  	p1 =	sne.s32 s30, $0x7D;
	[tilespmem:s9+$0x5110] =	vst v3  }
.Ltmp2:
0x86: {  	[tilespmem:s9+$0x5100] =	vst v1;
	(pc) =	sbr.rel @p1 .LBB2_4-.Ltmp2, $4  }
0x87: {  	[spmem:s1] =	stream.indirect.scatter.add.f32 [tilespmem:s28], [sflag:$0x3], $0x20, s18, s19, $0xb8;
	[tilespmem:$0xCF20] =	vst v63  }
0x88: {  	_ =	swait.ge [sflag:s17], $0xA00  }
0x89: {  	[sflag:s17] =	ssyncset.done $0x0  }
0x8a: {  	[sflag:s17] =	ssyncadd.s32 $0xFFFFF600  }
0x8b: {  	s0 =	stileid.u32  }
0x8c: {  	[bflag:$0x0] =	sbarrier.arrive $0xFFFF;
	s0 =	sshll.u32 s0, $0x6  }
0x8d: {  	s3 =	sshrl.u32 s8, $0x3;
	s9 =	rddreg [dreg:$0x4];
	s0 =	sor.u32 $0x1C03, s0  }
0x8e: {  	[hbm:s9], [sflag:s0] =	dma.local [spmem:s3], $0xD00  }
0x8f: {  	_ =	swait.ge [sflag:s17], $0xD00  }
0x90: {  	[sflag:s17] =	ssyncset.done $0x0  }
0x91: {  	s31 =	rddreg [dreg:$0x5];
	[sflag:s17] =	ssyncadd.s32 $0xFFFFF300  }
0x92: {  	[hbm:s31], [sflag:s0] =	dma.local [spmem:s23], $0xD00  }
0x93: {  	_ =	swait.ge [sflag:s17], $0xD00  }
0x94: {  	[sflag:s17] =	ssyncset.done $0x0  }
0x95: {  	[sflag:s17] =	ssyncadd.s32 $0xFFFFF300  }
0x96: {  	[hbm:s13], [sflag:s0] =	dma.local [spmem:s24], $0xD00  }
0x97: {  	_ =	swait.ge [sflag:s17], $0xD00  }
0x98: {  	s2 =	sadd.s32 $0x1, s2;
	[sflag:s17] =	ssyncset.done $0x0  }
0x99: {  	p1 =	sne.s32 s2, s15;
	[sflag:s17] =	ssyncadd.s32 $0xFFFFF300  }
0x9a: {  	[hbm:s14], [sflag:s0] =	dma.local @!p0 [spmem:s25], $0x80  }
.Ltmp3:
0x9b: {  	_ = 	snop;
	(pc) =	sbr.rel @p1 .LBB2_1-.Ltmp3, $4  }
0x9c: {  	s0 =	simm.s32 @!p0 $0x3  }
0x9d: {  	_ =	swait.ge @!p0 [sflag:s0], $0x80  }
0x9e: {  	[sflag:s0] =	ssyncset.done @!p0 $0x0  }
0x9f: {  	[sflag:s0] =	ssyncadd.s32 @!p0 $0xFFFFFF80  }
0xa0: {  	_ =	sfence.sel $0x180000  }
0xa1: {  	[bflag:$0x0] =	sbarrier.arrive $0xFFFF  }
0xa2: {  	_ =	strace $0x9000004A  }
0xa3: {  	s0 =	stileid.u32;
	[bflag:$0x2] =	sbarrier.arrive $0xFFFF  }
0xa4: {  	p0 =	sne.s32 s0, $0x0;
	s0 =	rddreg [dreg:$0x2]  }
0xa5: {  	s0 =	sadd.s32 @!p0 $0x100000, s0  }
0xa6: {  	[sflag:s0] =	ssyncadd.tile.s32 @!p0 $0x1;
	_ =	shalt  }
.Lfunc_end2:
_tile_overlayer_lowered:
.L_overlay_start_2:
0xa7: {  	(tag) =	ssettag $0x2  }
0xa8: {  	s0 =	rddreg [dreg:$0x0];
	s2 =	stileid.u32  }
0xa9: {  	s1 =	rddreg [dreg:$0x1];
	p0 =	sne.s32 s2, $0x0  }
0xaa: {  	s3 =	rddreg [dreg:$0x2];
	[bflag:$0x3] =	sbarrier.arrive $0xFFFF;
	s2 =	simm.s32 @!p0 $0x1C03  }
0xab: {  	[timem:s3], [sflag:s2] =	dma.local @!p0 [hbm:s0], s1  }
0xac: {  	s0 =	simm.s32 @!p0 $0x3  }
0xad: {  	_ =	swait.ge @!p0 [sflag:s0], s1  }
0xae: {  	s1 =	ssub.s32 @!p0 $0x0, s1;
	[sflag:s0] =	ssyncset.done @!p0 $0x0  }
0xaf: {  	[sflag:s0] =	ssyncadd.s32 @!p0 s1  }
0xb0: {  	[bflag:$0x3] =	sbarrier.arrive $0xFFFF  }
0xb1: {  	_ =	shalt  }

// kernel: kernel.7.cloned.1.call-start
scs
__scs_entry_jumppad:
0x0: {  	(pc) =	sbr.rel $0x88, $3  }
0x1: {  	(tag) =	ssettag $0x0;
	lr =	simm.s32 $0x1  }
0x2: {  	[smem:$0x3F97] =	sst lr;
	_ =	strace $0xD0000000  }
0x3: {  	_ = 	snop  }
0x4: {  	_ = 	snop  }
0x5: {  	_ = 	snop  }
0x6: {  	_ = 	snop  }
0x7: {  	_ = 	snop  }
__scs_overlays_trampoline_lowered:
0x8: {  	[smem:$0x3FA6] =	sst s0  }
0x9: {  	[smem:$0x3FA7] =	sst s1  }
0xa: {  	[smem:$0x3FA8] =	sst s2  }
0xb: {  	[smem:$0x3FA9] =	sst s3  }
0xc: {  	[smem:$0x3FAA] =	sst s4  }
0xd: {  	[smem:$0x3FAB] =	sst s5  }
0xe: {  	[smem:$0x3FAC] =	sst s6  }
0xf: {  	[smem:$0x3FAD] =	sst s7  }
0x10: {  	[smem:$0x3FAE] =	sst s8  }
0x11: {  	[smem:$0x3FAF] =	sst s9;
	s0 =	simm.s32 @!p0 $0x0  }
0x12: {  	s1 =	sld [smem:$0x3F95];
	s0 =	simm.s32 @p0 $0x1  }
0x13: {  	[smem:$0x3FB0] =	sst s0;
	s0 =	simm.s32 @!p1 $0x0  }
0x14: {  	s2 =	sld [smem:$0x3F94];
	s0 =	simm.s32 @p1 $0x1  }
0x15: {  	[smem:$0x3FB1] =	sst s0;
	s0 =	simm.s32 @!p2 $0x0  }
0x16: {  	s3 =	sld [smem:$0x3FDB];
	s0 =	simm.s32 @p2 $0x1  }
0x17: {  	s4 =	simm.s32 $0x1BF5;
	[smem:$0x3FB3] =	sst s0  }
0x18: {  	s0 =	sld [smem:$0x3F96];
	_ =	swait.ge [sflag:s4], $0x0  }
0x19: {  	s7 =	sld [smem:$0x3F97]  }
0x1a: {  	s8 =	sadd.s32 $0xFFFFE003, lr  }
0x1b: {  	s9 =	sadd.s32 $0xFFFFFEF7, lr;
	s5 =	simm.s32 $0xFFFFFFFF;
	p2 =	slt.u32 s8, $0xFFFFF086  }
0x1c: {  	p1 =	slt.u32 s9, $0xF7A;
	s5 =	simm.s32 @!p2 $0x0  }
0x1d: {  	s5 =	simm.s32 @p1 $0x1;
	p0 =	seq.s32 s7, s2  }
0x1e: {  	s7 =	smul.u32 @!p0 $0xF7A, s2;
	p2 =	seq.s32 @!p0 s5, $0x0  }
0x1f: {  	s9 =	smul.u32 $0xF7A, s1;
	s8 =	simm.s32 @!p0 $0x1BF5;
	p2 =	por !p2, p0  }
0x20: {  	[sflag:s8] =	ssyncset.s32 @!p0 $0xFFFFF086;
	s6 =	sadd.s32 @!p0 s3, s7;
	s7 =	simm.s32 @!p0 $0x108  }
0x21: {  	s3 =	sadd.s32 s3, s9;
	s6 =	sadd.s32 @!p0 $0x88, s6;
	s7 =	simm.s32 @p2 $0x1082  }
0x22: {  	[simem:s7], [sflag:s8] =	dma.local @!p0 [hbm:s6], $0xF7A  }
0x23: {  	s9 =	sor.u32 $0xD0000000, s2;
	s6 =	simm.s32 $0x108;
	_ =	swait.ge @!p0 [sflag:s8], $0x0  }
0x24: {  	s3 =	sadd.s32 $0x88, s3;
	s6 =	simm.s32 @!p1 $0x1082;
	[sflag:s4] =	ssyncset.s32 $0xFFFFF086  }
0x25: {  	[simem:s6], [sflag:s4] =	dma.local [hbm:s3], $0xF7A  }
0x26: {  	[smem:$0x3F97] =	sst s1;
	(tag) =	ssettag s2;
	_ =	strace s9  }
0x27: {  	s1 =	sld [smem:$0x3FA7]  }
0x28: {  	s2 =	sld [smem:$0x3FA8]  }
0x29: {  	s4 =	sld [smem:$0x3FAA]  }
0x2a: {  	p0 =	seq.s32 s5, $0x0;
	s5 =	sld [smem:$0x3FAB]  }
0x2b: {  	s6 =	sld [smem:$0x3FAC]  }
0x2c: {  	s7 =	sld [smem:$0x3FAD]  }
0x2d: {  	s3 =	simm.s32 $0x108;
	s8 =	sld [smem:$0x3FAE]  }
0x2e: {  	s3 =	simm.s32 @!p0 $0x1082;
	s9 =	sld [smem:$0x3FAF]  }
0x2f: {  	lr =	sadd.s32 s0, s3;
	s0 =	sld [smem:$0x3FA6]  }
0x30: {  	s3 =	sld [smem:$0x3FA9]  }
0x31: {  	[smem:$0x3FB2] =	sst s10  }
0x32: {  	s10 =	sld [smem:$0x3FB0];
	_ =	sdelay $0x3  }
0x33: {  	p0 =	seq.s32 s10, $0x1;
	s10 =	sld [smem:$0x3FB2];
	_ =	sdelay $0x3  }
0x34: {  	[smem:$0x3FB2] =	sst s10  }
0x35: {  	s10 =	sld [smem:$0x3FB1];
	_ =	sdelay $0x3  }
0x36: {  	p1 =	seq.s32 s10, $0x1;
	s10 =	sld [smem:$0x3FB2];
	_ =	sdelay $0x3  }
0x37: {  	[smem:$0x3FB2] =	sst s10  }
0x38: {  	s10 =	sld [smem:$0x3FB3]  }
0x39: {  	_ = 	snop;
	(pc) =	sbr.ind lr, $3  }
0x3a: {  	_ = 	snop  }
0x3b: {  	_ = 	snop  }
0x3c: {  	p2 =	seq.s32 s10, $0x1;
	s10 =	sld [smem:$0x3FB2]  }
0x3d: {  	_ =	shalt  }
0x3e: {  	_ =	shalt  }
0x3f: {  	_ =	shalt  }
0x40: {  	_ =	shalt  }
0x41: {  	_ =	shalt  }
0x42: {  	_ =	shalt  }
0x43: {  	_ =	shalt  }
0x44: {  	_ =	shalt  }
0x45: {  	_ =	shalt  }
0x46: {  	_ =	shalt  }
0x47: {  	_ =	shalt  }
0x48: {  	_ =	shalt  }
0x49: {  	_ =	shalt  }
0x4a: {  	_ =	shalt  }
0x4b: {  	_ =	shalt  }
0x4c: {  	_ =	shalt  }
0x4d: {  	_ =	shalt  }
0x4e: {  	_ =	shalt  }
0x4f: {  	_ =	shalt  }
0x50: {  	_ =	shalt  }
0x51: {  	_ =	shalt  }
0x52: {  	_ =	shalt  }
0x53: {  	_ =	shalt  }
0x54: {  	_ =	shalt  }
0x55: {  	_ =	shalt  }
0x56: {  	_ =	shalt  }
0x57: {  	_ =	shalt  }
0x58: {  	_ =	shalt  }
0x59: {  	_ =	shalt  }
0x5a: {  	_ =	shalt  }
0x5b: {  	_ =	shalt  }
0x5c: {  	_ =	shalt  }
0x5d: {  	_ =	shalt  }
0x5e: {  	_ =	shalt  }
0x5f: {  	_ =	shalt  }
0x60: {  	_ =	shalt  }
0x61: {  	_ =	shalt  }
0x62: {  	_ =	shalt  }
0x63: {  	_ =	shalt  }
0x64: {  	_ =	shalt  }
0x65: {  	_ =	shalt  }
0x66: {  	_ =	shalt  }
0x67: {  	_ =	shalt  }
0x68: {  	_ =	shalt  }
0x69: {  	_ =	shalt  }
0x6a: {  	_ =	shalt  }
0x6b: {  	_ =	shalt  }
0x6c: {  	_ =	shalt  }
0x6d: {  	_ =	shalt  }
0x6e: {  	_ =	shalt  }
0x6f: {  	_ =	shalt  }
0x70: {  	_ =	shalt  }
0x71: {  	_ =	shalt  }
0x72: {  	_ =	shalt  }
0x73: {  	_ =	shalt  }
0x74: {  	_ =	shalt  }
0x75: {  	_ =	shalt  }
0x76: {  	_ =	shalt  }
0x77: {  	_ =	shalt  }
0x78: {  	_ =	shalt  }
0x79: {  	_ =	shalt  }
0x7a: {  	_ =	shalt  }
0x7b: {  	_ =	shalt  }
0x7c: {  	_ =	shalt  }
0x7d: {  	_ =	shalt  }
0x7e: {  	_ =	shalt  }
0x7f: {  	_ =	shalt  }
0x80: {  	_ =	shalt  }
0x81: {  	_ =	shalt  }
0x82: {  	_ =	shalt  }
0x83: {  	_ =	shalt  }
0x84: {  	_ =	shalt  }
0x85: {  	_ =	shalt  }
0x86: {  	_ =	shalt  }
0x87: {  	_ =	shalt  }
.Lfunc_end0:
.L_simem_size_0:
called_computation_lowered:
.L_overlay_start_0:
0x88: {  	s2 =	sld [smem:$0x3FD9]  }
0x89: {  	s3 =	sld [smem:$0x3FFE];
	_ =	sdelay $0x1  }
0x8a: {  	s1 =	srdreg.scid  }
0x8b: {  	s0 =	sand.u32 $0x1, s1  }
0x8c: {  	s16 =	sshll.u32 s0, $0xA;
	s2 =	sadd.s32 s3, s2  }
0x8d: {  	s2 =	sadd.s32 s2, s16  }
0x8e: {  	[smem:$0x3FBE] =	sst s2  }
0x8f: {  	_ = 	snop  }
0x90: {  	(tm) =	ssettm $0x1  }
0x91: {  	s17 =	sld [smem:$0x3FFB];
	_ =	sdelay $0x3  }
0x92: {  	_ =	strace s17  }
0x93: {  	s2 =	sld [smem:$0x3FFC];
	_ =	sdelay $0x3  }
0x94: {  	_ =	strace s2  }
0x95: {  	s2 =	sld [smem:$0x3FFD];
	_ =	sdelay $0x3  }
0x96: {  	_ =	strace s2  }
0x97: {  	_ =	strace $0x8FFFFFFF  }
0x98: {  	s18 =	sld [smem:$0x3FDB];
	_ =	sdelay $0x1  }
0x99: {  	s19 =	simm.s32 $_scs_section_size  }
0x9a: {  	s4 =	simm.s32 $_size__tile_overlayer_lowered;
	s5 =	simm.s32 $_tile_overlayer_lowered  }
0x9b: {  	s22 =	simm.s32 $0x1BFF;
	s21 =	sshll.u32 s5, $0x1;
	s2 =	sadd.s32 s19, s18  }
0x9c: {  	s6 =	simm.s32 $0x0;
	s20 =	sshll.u32 s4, $0x1;
	s4 =	sadd.s32 s21, s2  }
0x9d: {  	[timem:s6], [sflag:s22] =	dma.local [hbm:s4], s20  }
0x9e: {  	_ =	swait.ge [sflag:s22], s20  }
0x9f: {  	s3 =	ssub.s32 $0x0, s20;
	[sflag:s22] =	ssyncset.done $0x0  }
0xa0: {  	[sflag:s22] =	ssyncadd.s32 s3;
	_ =	sdelay $0x1  }
0xa1: {  	s23 =	simm.s32 $0x1B8B  }
0xa2: {  	_ =	swait.ge [sflag:s23], $0x1  }
0xa3: {  	[sflag:s23] =	ssyncset.done $0x0  }
0xa4: {  	s25 =	simm.s32 $0x1B8E;
	s24 =	sld [smem:$0x3FFE];
	[sflag:s23] =	ssyncadd.s32 $0xFFFFFFFF  }
0xa5: {  	s26 =	simm.s32 $execute0_lowered;
	[smem:$0x3FD2] =	sst s25  }
0xa6: {  	s4 =	sshll.u32 s26, $0x1;
	_ =	strace $0x80000046;
	[dreg:$0x1] =	wrdreg $0xFFFFFFFF  }
0xa7: {  	s28 =	simm.s32 $_size_execute0_lowered;
	s2 =	sadd.s32 s2, s4;
	[dreg:$0x0] =	wrdreg $0x0  }
0xa8: {  	s4 =	sshll.u32 s28, $0x1;
	[dreg:$0x2] =	wrdreg s2  }
0xa9: {  	[dreg:$0x3] =	wrdreg s4  }
0xaa: {  	[dreg:$0x4] =	wrdreg $0xC0  }
0xab: {  	_ =	task [dreg:s6], $0x5FFFF  }
0xac: {  	[dreg:$0x1] =	wrdreg $0xFFFFFFFF  }
0xad: {  	[dreg:$0x0] =	wrdreg $0x60  }
0xae: {  	[dreg:$0x2] =	wrdreg s24  }
0xaf: {  	[dreg:$0x3] =	wrdreg $0x79000  }
0xb0: {  	[dreg:$0x4] =	wrdreg $0x9  }
0xb1: {  	_ =	task.clear_ibuf [dreg:s6], $0x5FFFF;
	_ =	strace $0x90000046  }
0xb2: {  	s29 =	simm.s32 $0x9;
	_ =	strace $0x80000048  }
0xb3: {  	_ =	swait.ge [sflag:s29], $0x1  }
0xb4: {  	[sflag:s29] =	ssyncadd.s32 $0xFFFFFFFF  }
0xb5: {  	_ =	strace $0x90000048  }
0xb6: {  	_ =	sfence  }
0xb7: {  	s30 =	sld [smem:$0x0];
	_ =	sdelay $0x2  }
0xb8: {  	s31 =	sshll.u32 s1, $0xD;
	s1 =	sshrl.u32 s1, $0x2  }
0xb9: {  	s3 =	sand.u32 $0x4000, s31;
	s1 =	sadd.s32 s1, s30  }
0xba: {  	s0 =	sor.u32 s3, s0;
	s1 =	sshll.u32 s1, $0x11  }
0xbb: {  	s0 =	sor.u32 s1, s0  }
0xbc: {  	s0 =	sadd.s32 $0x8F2B, s0  }
0xbd: {  	[sflag:s0] =	ssyncadd.remote.s32 $0x1  }
0xbe: {  	_ =	sfence.sel $0xFFFF  }
0xbf: {  	[dreg:$0x0] =	wrdreg $0xFFFFFFFF;
	(pc) =	sbr.abs _section_cstart, $3  }
0xc0: {  	[dreg:$0x1] =	wrdreg $0xFFFFFFFF  }
0xc1: {  	_ =	task.clear_ibuf [dreg:s6], $0x2FFFF;
	_ =	strace $0x9FFFFFFF  }
0xc2: {  	(tm) =	ssettm $0x7FFFFFFF  }
0xc3: {  	_ =	shalt  }
tec
execute0_lowered:
.L_overlay_start_1:
0x0: {  	(tag) =	ssettag $0x1  }
0x1: {  	s0 =	rddreg [dreg:$0x0]  }
0x2: {  	s1 =	rddreg [dreg:$0x1];
	s2 =	simm.s32 $0x0  }
0x3: {  	s3 =	srdreg.scid;
	s18 =	stileid.u32;
	s17 =	simm.s32 $0x3  }
0x4: {  	s19 =	simm.s32 $0x50;
	s20 =	simm.s32 $0x100;
	s28 =	simm.s32 $0x5100  }
0x5: {  	s29 =	simm.s32 $0x0;
	[smem:$0x7FF] =	sst s2;
	s4 =	sadd.s32 $0xC000, s0  }
0x6: {  	s5 =	sadd.s32 $0x2200, s0;
	s6 =	sadd.s32 $0x15E00, s0;
	s3 =	sand.u32 $0x1, s3  }
0x7: {  	s7 =	sadd.s32 $0x3D000, s0;
	s9 =	smul.u32 $0x4E000, s18;
	s0 =	sadd.s32 $0x64200, s0  }
0x8: {  	s21 =	sshll.u32 s18, $0x1;
	s12 =	smul.u32 $0x13800, s18;
	s23 =	sshll.u32 s18, $0xA  }
0x9: {  	p0 =	sgt.u32 s18, $0x1;
	s18 =	simm.s32 $0x80;
	_ =	strace $0x80000047  }
0xa: {  	s8 =	ssub.s32 $0x2, s3;
	s11 =	smul.u32 $0x138800, s3;
	s3 =	sor.u32 s3, s21  }
0xb: {  	s24 =	sadd.s32 s23, s1;
	s21 =	simm.s32 $0x2900;
	s10 =	sshrl.u32 s8, $0x1  }
0xc: {  	s22 =	sshrl.u32 s9, $0x2;
	s14 =	sadd.s32 $0x6800, s12;
	s16 =	sadd.s32 $0xD000, s12  }
0xd: {  	s9 =	sor.u32 $0x138000, s23;
	s15 =	ssub.s32 s8, s10;
	s8 =	sadd.s32 s22, s1  }
0xe: {  	s13 =	sadd.s32 s12, s11;
	s10 =	sadd.s32 $0x138000, s24;
	s26 =	sadd.s32 s11, s14  }
0xf: {  	s30 =	sadd.s32 s11, s16;
	s11 =	sadd.s32 s11, s9;
	s23 =	sadd.s32 s14, s1  }
0x10: {  	s31 =	sadd.s32 s16, s1;
	s16 =	simm.s32 $0x13C50;
	s22 =	simm.s32 $0x1  }
0x11: {  	[dreg:$0x3] =	wrdreg s10;
	s13 =	sshrl.u32 s13, $0x3;
	s10 =	smul.u32 $0x2710, s3  }
0x12: {  	s3 =	sshrl.u32 s26, $0x3;
	s11 =	sshrl.u32 s11, $0x3;
	s15 =	smax.u32 s15, $0x1  }
0x13: {  	s23 =	sshrl.u32 s23, $0x3;
	s24 =	sshrl.u32 s31, $0x3;
	s3 =	sadd.s32 s0, s3  }
0x14: {  	s25 =	sadd.s32 s0, s13;
	[dreg:$0x5] =	wrdreg s3;
	s3 =	sshrl.u32 s30, $0x3  }
0x15: {  	s14 =	sadd.s32 s0, s11;
	s13 =	sadd.s32 s0, s3;
	s0 =	sadd.s32 s9, s1  }
0x16: {  	v0 =	vimm.f32 $0.0e+00;
	s26 =	simm.s32 $0x2;
	[dreg:$0x4] =	wrdreg s25;
	s25 =	sshrl.u32 @!p0 s0, $0x3  }
.LBB2_1:
0x17: {  	[tilespmem:$0x13C50] =	vst v0  }
0x18: {  	[tilespmem:$0x13C60] =	vst v0  }
0x19: {  	[tilespmem:$0x13C70] =	vst v0  }
0x1a: {  	[tilespmem:$0x13C80] =	vst v0  }
0x1b: {  	[tilespmem:$0x13C90] =	vst v0  }
0x1c: {  	[tilespmem:$0x13CD0] =	vst v0  }
0x1d: {  	[tilespmem:$0x13CE0] =	vst v0  }
0x1e: {  	[tilespmem:$0x13CF0] =	vst v0  }
0x1f: {  	[tilespmem:$0x13D00] =	vst v0  }
0x20: {  	[tilespmem:$0x13D10] =	vst v0  }
0x21: {  	[tilespmem:$0x13D50] =	vst v0  }
0x22: {  	[tilespmem:$0x13D60] =	vst v0  }
0x23: {  	[tilespmem:$0x13D70] =	vst v0  }
0x24: {  	[tilespmem:$0x13D80] =	vst v0  }
0x25: {  	[tilespmem:$0x13D90] =	vst v0  }
0x26: {  	[tilespmem:$0x13DD0] =	vst v0  }
0x27: {  	[tilespmem:$0x13DE0] =	vst v0  }
0x28: {  	[tilespmem:$0x13DF0] =	vst v0  }
0x29: {  	[tilespmem:$0x13E00] =	vst v0  }
0x2a: {  	[tilespmem:$0x13E10] =	vst v0  }
0x2b: {  	[tilespmem:$0x13E50] =	vst v0  }
0x2c: {  	[tilespmem:$0x13E60] =	vst v0  }
0x2d: {  	[tilespmem:$0x13E70] =	vst v0  }
0x2e: {  	[tilespmem:$0x13E80] =	vst v0  }
0x2f: {  	[tilespmem:$0x13E90] =	vst v0  }
0x30: {  	[tilespmem:$0x13ED0] =	vst v0  }
0x31: {  	[tilespmem:$0x13EE0] =	vst v0  }
0x32: {  	[tilespmem:$0x13EF0] =	vst v0  }
0x33: {  	[tilespmem:$0x13F00] =	vst v0  }
0x34: {  	[tilespmem:$0x13F10] =	vst v0  }
0x35: {  	[tilespmem:$0x13F50] =	vst v0  }
0x36: {  	[tilespmem:$0x13F60] =	vst v0  }
0x37: {  	[tilespmem:$0x13F70] =	vst v0  }
0x38: {  	[tilespmem:$0x13F80] =	vst v0  }
0x39: {  	[tilespmem:$0x13F90] =	vst v0  }
0x3a: {  	[tilespmem:$0x13FD0] =	vst v0  }
0x3b: {  	[tilespmem:$0x13FE0] =	vst v0  }
0x3c: {  	[tilespmem:$0x13FF0] =	vst v0  }
0x3d: {  	[tilespmem:$0x14000] =	vst v0  }
0x3e: {  	[tilespmem:$0x14010] =	vst v0  }
0x3f: {  	[tilespmem:$0x14050] =	vst v0  }
0x40: {  	[tilespmem:$0x14060] =	vst v0  }
0x41: {  	[tilespmem:$0x14070] =	vst v0  }
0x42: {  	[tilespmem:$0x14080] =	vst v0  }
0x43: {  	[tilespmem:$0x14090] =	vst v0  }
0x44: {  	[tilespmem:$0x140D0] =	vst v0  }
0x45: {  	[tilespmem:$0x140E0] =	vst v0  }
0x46: {  	[tilespmem:$0x140F0] =	vst v0  }
0x47: {  	[tilespmem:$0x14100] =	vst v0  }
0x48: {  	[tilespmem:$0x14110] =	vst v0  }
0x49: {  	[tilespmem:$0x14150] =	vst v0  }
0x4a: {  	[tilespmem:$0x14160] =	vst v0  }
0x4b: {  	[tilespmem:$0x14170] =	vst v0  }
0x4c: {  	[tilespmem:$0x14180] =	vst v0  }
0x4d: {  	[tilespmem:$0x14190] =	vst v0  }
0x4e: {  	[tilespmem:$0x141D0] =	vst v0  }
0x4f: {  	[tilespmem:$0x141E0] =	vst v0  }
0x50: {  	[tilespmem:$0x141F0] =	vst v0  }
0x51: {  	[tilespmem:$0x14200] =	vst v0  }
0x52: {  	[tilespmem:$0x14210] =	vst v0  }
0x53: {  	[tilespmem:$0x14250] =	vst v0  }
0x54: {  	[tilespmem:$0x14260] =	vst v0  }
0x55: {  	[tilespmem:$0x14270] =	vst v0  }
0x56: {  	[tilespmem:$0x14280] =	vst v0  }
0x57: {  	[tilespmem:$0x14290] =	vst v0  }
0x58: {  	[tilespmem:$0x142D0] =	vst v0  }
0x59: {  	[tilespmem:$0x142E0] =	vst v0  }
0x5a: {  	[tilespmem:$0x142F0] =	vst v0  }
0x5b: {  	[tilespmem:$0x14300] =	vst v0  }
0x5c: {  	[tilespmem:$0x14310] =	vst v0  }
0x5d: {  	[tilespmem:$0x14350] =	vst v0  }
0x5e: {  	[tilespmem:$0x14360] =	vst v0  }
0x5f: {  	[tilespmem:$0x14370] =	vst v0  }
0x60: {  	[tilespmem:$0x14380] =	vst v0  }
0x61: {  	[tilespmem:$0x14390] =	vst v0  }
0x62: {  	[tilespmem:$0x143D0] =	vst v0  }
0x63: {  	[tilespmem:$0x143E0] =	vst v0  }
0x64: {  	[tilespmem:$0x143F0] =	vst v0  }
0x65: {  	[tilespmem:$0x14400] =	vst v0  }
0x66: {  	[tilespmem:$0x14410] =	vst v0;
	s0 =	sadd.s32 $0x0, s8  }
0x67: {  	[spmem:s0] =	stream.linear.scatter [tilespmem:s16], [sflag:$0x3], $0x800, $0x38;
	[tilespmem:$0x14450] =	vst v63  }
0x68: {  	s0 =	simm.s32 $0x2000;
	_ =	swait.ge [sflag:s17], $0x800  }
.LBB2_2:
0x69: {  	s3 =	sshra.s32 s0, $0x2;
	[sflag:s17] =	ssyncset.done $0x0;
	p1 =	sne.s32 s0, $0x4C000  }
.Ltmp0:
0x6a: {  	s3 =	sadd.s32 s3, s8;
	[sflag:s17] =	ssyncadd.s32 $0xFFFFF800;
	(pc) =	sbr.rel @p1 .LBB2_2-.Ltmp0, $3  }
0x6b: {  	[spmem:s3] =	stream.linear.scatter [tilespmem:s16], [sflag:$0x3], $0x800, $0x38;
	[tilespmem:$0x14450] =	vst v63  }
0x6c: {  	s0 =	sadd.s32 $0x2000, s0;
	_ =	sdelay $0x1  }
0x6d: {  	_ =	swait.ge [sflag:s17], $0x800  }
0x6e: {  	[sflag:s17] =	ssyncset.done $0x0  }
0x6f: {  	s0 =	simm.s32 @!p0 $0x13C50;
	s3 =	rddreg [dreg:$0x3];
	[sflag:s17] =	ssyncadd.s32 $0xFFFFF800  }
0x70: {  	[spmem:s3] =	stream.linear.scatter @!p0 [tilespmem:s0], [sflag:$0x3], $0x400, $0x38;
	[tilespmem:$0x14450] =	vst v63  }
0x71: {  	s0 =	simm.s32 @!p0 $0x3  }
0x72: {  	_ =	swait.ge @!p0 [sflag:s0], $0x400  }
0x73: {  	[sflag:s0] =	ssyncset.done @!p0 $0x0  }
0x74: {  	[sflag:s0] =	ssyncadd.s32 @!p0 $0xFFFFFC00  }
0x75: {  	s30 =	simm.s32 $0x0;
	[bflag:$0x0] =	sbarrier.arrive $0xFFFF  }
.LBB2_4:
0x76: {  	s0 =	smul.u32 $0x50, s30;
	_ =	sdelay $0x1  }
0x77: {  	s0 =	sadd.s32 s10, s0  }
0x78: {  	s0 =	sshrl.u32 s0, $0x3  }
0x79: {  	s3 =	sadd.s32 s4, s0  }
0x7a: {  	[tilespmem:s29], [sflag:$0x3] =	stream.linear.gather [hbm4b:s3+s29], $0x50, $0x38;
	[tilespmem:$0x14450] =	vst v63  }
0x7b: {  	_ =	swait.ge [sflag:s17], $0x50  }
0x7c: {  	[sflag:s17] =	ssyncset.done $0x0  }
0x7d: {  	s0 =	sadd.s32 s5, s0;
	[sflag:s17] =	ssyncadd.s32 $0xFFFFFFB0  }
0x7e: {  	[tilespmem:s18], [sflag:$0x3] =	stream.linear.gather [hbm4b:s0+s29], $0x50, $0x38;
	[tilespmem:$0x14450] =	vst v63  }
0x7f: {  	_ =	swait.ge [sflag:s17], $0x50  }
0x80: {  	[sflag:s17] =	ssyncset.done $0x0  }
0x81: {  	[sflag:s17] =	ssyncadd.s32 $0xFFFFFFB0  }
0x82: {  	[tilespmem:s20], [sflag:$0x1] =	stream.indirect.gather [hbm4b:s6+s19], $0x80, s29, s19, $0xb8;
	[tilespmem:$0x14450] =	vst v63  }
0x83: {  	_ = 	snop  }
0x84: {  	[tilespmem:s21], [sflag:$0x2] =	stream.indirect.gather [hbm4b:s7+s19], $0x80, s18, s19, $0xb8;
	[tilespmem:$0x14450] =	vst v63  }
0x85: {  	_ =	swait.ge [sflag:s22], $0x2800  }
0x86: {  	[sflag:s22] =	ssyncset.done $0x0  }
0x87: {  	[sflag:s22] =	ssyncadd.s32 $0xFFFFD800  }
0x88: {  	_ =	swait.ge [sflag:s26], $0x2800  }
0x89: {  	[sflag:s26] =	ssyncset.done $0x0  }
0x8a: {  	s9 =	simm.s32 $0x0;
	[sflag:s26] =	ssyncadd.s32 $0xFFFFD800  }
0x8b: {  	v1 =	vld [tilespmem:s9+$0x140]  }
0x8c: {  	v2 =	vld [tilespmem:s9+$0x2900];
	_ =	sdelay $0x2  }
0x8d: {  	v10 =	vld [tilespmem:s9+$0x100]  }
0x8e: {  	s0 =	simm.s32 $0x80;
	v12 =	vld [tilespmem:s9+$0x110]  }
0x8f: {  	v4 =	vld [tilespmem:s0+$0x2900];
	v1 =	vadd.f32 v2, v1  }
0x90: {  	v2 =	vld [tilespmem:s0+$0x140]  }
0x91: {  	s31 =	simm.s32 $0x100;
	v11 =	vld [tilespmem:s9+$0x120];
	v3 =	vmul.f32 $2.000000030e-01, v1  }
0x92: {  	v5 =	vld [tilespmem:s31+$0x140];
	vm0 =	vgt.f32 v1, $0.0e+00  }
0x93: {  	v8 =	vld [tilespmem:s31+$0x2900];
	v1 =	vsel vm0, v1, v3  }
0x94: {  	v7 =	vld [tilespmem:s0+$0x100];
	v1 =	vmul.f32 $1.442695020e+00, v1  }
0x95: {  	v6 =	vld [tilespmem:s0+$0x110];
	v9 =	vadd.f32 v4, v2  }
0x96: {  	s3 =	simm.s32 $0x180;
	v13 =	vld [tilespmem:s9+$0x130];
	(erf) = vpow2.f32 v1  }
0x97: {  	v14 =	vld [tilespmem:s3+$0x140];
	v15 =	vmul.f32 $2.000000030e-01, v9  }
0x98: {  	v16 =	vadd.f32 v8, v5;
	v8 =	vld [tilespmem:s3+$0x110];
	vm14 =	vgt.f32 v9, $0.0e+00  }
0x99: {  	v3 =	vld [tilespmem:s0+$0x120];
	v5 =	vsel vm14, v9, v15  }
0x9a: {  	v2 =	vld [tilespmem:s31+$0x110];
	v9 =	vmul.f32 $1.442695020e+00, v5  }
0x9b: {  	v1 =	vld [tilespmem:s31+$0x100]  }
0x9c: {  	v15 =	vld [tilespmem:s3+$0x2900];
	(erf) = vpow2.f32 v9  }
0x9d: {  	v17 =	vmul.f32 $2.000000030e-01, v16;
	v5 =	vld [tilespmem:s3+$0x100]  }
0x9e: {  	vm15 =	vgt.f32 v16, $0.0e+00;
	v4 =	vld [tilespmem:s31+$0x120]  }
0x9f: {  	s11 =	simm.s32 $0x800;
	v17 =	vsel vm15, v16, v17;
	v9 =	vld [tilespmem:s3+$0x120];
	v16 =	vpop (erf)  }
.LBB2_5:
0xa0: {  	v17 =	vmul.f32 $1.442695020e+00, v17;
	v18 =	vmul.f32 v13, v16;
	v13 =	vld [tilespmem:s0+$0x130];
	[tilespmem:s9+$0x5140] =	vst v16;
	s12 =	smov.u32 s3;
	s3 =	sshra.s32 s11, $0x2;
	p1 =	sne.s32 s11, $0x9E00  }
.Ltmp1:
0xa1: {  	s11 =	sadd.s32 $0x200, s11;
	v20 =	vmul.f32 v16, v10;
	v21 =	vmul.f32 v16, v12;
	v10 =	vmovc v7;
	v19 =	vadd.f32 v15, v14;
	v14 =	vld [tilespmem:s3+$0x140];
	(pc) =	sbr.rel @p1 .LBB2_5-.Ltmp1, $4  }
0xa2: {  	v22 =	vmul.f32 v16, v11;
	v7 =	vmovc v1;
	v12 =	vmovc v6;
	v15 =	vld [tilespmem:s3+$0x2900];
	(erf) = vpow2.f32 v17;
	[tilespmem:s9+$0x5130] =	vst v18;
	v1 =	vmov v5  }
0xa3: {  	v6 =	vmovc v2;
	v11 =	vmovc v3;
	v3 =	vmov v4;
	v5 =	vld [tilespmem:s3+$0x100];
	v18 =	vmul.f32 $2.000000030e-01, v19;
	[tilespmem:s9+$0x5100] =	vst v20;
	v2 =	vmov v8  }
0xa4: {  	vm0 =	vgt.f32 v19, $0.0e+00;
	v8 =	vld [tilespmem:s3+$0x110];
	[tilespmem:s9+$0x5110] =	vst v21;
	v4 =	vmov v9  }
0xa5: {  	v9 =	vld [tilespmem:s3+$0x120];
	v17 =	vsel vm0, v19, v18;
	v16 =	vpop (erf);
	[tilespmem:s9+$0x5120] =	vst v22;
	s9 =	smov.u32 s0;
	s0 =	smov.u32 s31;
	s31 =	smov.u32 s12  }
0xa6: {  	_ = 	snop  }
0xa7: {  	v17 =	vmul.f32 $1.442695020e+00, v17;
	v14 =	vadd.f32 v15, v14  }
0xa8: {  	v18 =	vld [tilespmem:s0+$0x130];
	v13 =	vmul.f32 v13, v16;
	v10 =	vmul.f32 v16, v10  }
0xa9: {  	[tilespmem:s9+$0x5140] =	vst v16;
	(erf) = vpow2.f32 v17;
	v57 =	vmul.f32 $2.000000030e-01, v14  }
0xaa: {  	v12 =	vmul.f32 v16, v12;
	[tilespmem:s9+$0x5130] =	vst v13;
	vm0 =	vgt.f32 v14, $0.0e+00  }
0xab: {  	v11 =	vmul.f32 v16, v11;
	[tilespmem:s9+$0x5100] =	vst v10;
	v58 =	vsel vm0, v14, v57  }
0xac: {  	[tilespmem:s9+$0x5110] =	vst v12;
	v59 =	vpop (erf);
	v10 =	vmul.f32 $1.442695020e+00, v58  }
0xad: {  	[tilespmem:s9+$0x5120] =	vst v11;
	v60 =	vmul.f32 v18, v59  }
0xae: {  	v11 =	vld [tilespmem:s31+$0x130];
	[tilespmem:s0+$0x5140] =	vst v59;
	v7 =	vmul.f32 v59, v7;
	(erf) = vpow2.f32 v10  }
0xaf: {  	v6 =	vmul.f32 v59, v6;
	[tilespmem:s0+$0x5130] =	vst v60  }
0xb0: {  	v3 =	vmul.f32 v59, v3;
	[tilespmem:s0+$0x5100] =	vst v7  }
0xb1: {  	[tilespmem:s0+$0x5110] =	vst v6  }
0xb2: {  	[tilespmem:s0+$0x5120] =	vst v3;
	v61 =	vpop (erf)  }
0xb3: {  	v3 =	vld [tilespmem:s3+$0x130];
	v62 =	vmul.f32 v11, v61;
	v1 =	vmul.f32 v61, v1  }
0xb4: {  	[tilespmem:s31+$0x5140] =	vst v61  }
0xb5: {  	v2 =	vmul.f32 v61, v2;
	[tilespmem:s31+$0x5130] =	vst v62  }
0xb6: {  	v4 =	vmul.f32 v61, v4;
	[tilespmem:s31+$0x5100] =	vst v1  }
0xb7: {  	[tilespmem:s31+$0x5110] =	vst v2;
	v1 =	vpop (erf)  }
0xb8: {  	[tilespmem:s31+$0x5120] =	vst v4;
	v2 =	vmul.f32 v3, v1  }
0xb9: {  	[tilespmem:s3+$0x5140] =	vst v1;
	v3 =	vmul.f32 v1, v5  }
0xba: {  	v63 =	vmul.f32 v1, v8;
	[tilespmem:s3+$0x5130] =	vst v2  }
0xbb: {  	s30 =	sadd.s32 $0x1, s30;
	v1 =	vmul.f32 v1, v9;
	[tilespmem:s3+$0x5100] =	vst v3  }
0xbc: {  	p1 =	sne.s32 s30, $0x7D;
	[tilespmem:s3+$0x5110] =	vst v63  }
.Ltmp2:
0xbd: {  	[tilespmem:s3+$0x5120] =	vst v1;
	(pc) =	sbr.rel @p1 .LBB2_4-.Ltmp2, $4  }
0xbe: {  	[spmem:s1] =	stream.indirect.scatter.add.f32 [tilespmem:s28], [sflag:$0x3], $0x50, s18, s19, $0xb8;
	[tilespmem:$0x14450] =	vst v63  }
0xbf: {  	_ =	swait.ge [sflag:s17], $0x1900  }
0xc0: {  	[sflag:s17] =	ssyncset.done $0x0  }
0xc1: {  	[sflag:s17] =	ssyncadd.s32 $0xFFFFE700  }
0xc2: {  	s0 =	stileid.u32  }
0xc3: {  	[bflag:$0x0] =	sbarrier.arrive $0xFFFF;
	s0 =	sshll.u32 s0, $0x6  }
0xc4: {  	s3 =	sshrl.u32 s8, $0x3;
	s9 =	rddreg [dreg:$0x4];
	s0 =	sor.u32 $0x1C03, s0  }
0xc5: {  	[hbm:s9], [sflag:s0] =	dma.local [spmem:s3], $0xD00  }
0xc6: {  	_ =	swait.ge [sflag:s17], $0xD00  }
0xc7: {  	[sflag:s17] =	ssyncset.done $0x0  }
0xc8: {  	s31 =	rddreg [dreg:$0x5];
	[sflag:s17] =	ssyncadd.s32 $0xFFFFF300  }
0xc9: {  	[hbm:s31], [sflag:s0] =	dma.local [spmem:s23], $0xD00  }
0xca: {  	_ =	swait.ge [sflag:s17], $0xD00  }
0xcb: {  	[sflag:s17] =	ssyncset.done $0x0  }
0xcc: {  	[sflag:s17] =	ssyncadd.s32 $0xFFFFF300  }
0xcd: {  	[hbm:s13], [sflag:s0] =	dma.local [spmem:s24], $0xD00  }
0xce: {  	_ =	swait.ge [sflag:s17], $0xD00  }
0xcf: {  	s2 =	sadd.s32 $0x1, s2;
	[sflag:s17] =	ssyncset.done $0x0  }
0xd0: {  	p1 =	sne.s32 s2, s15;
	[sflag:s17] =	ssyncadd.s32 $0xFFFFF300  }
0xd1: {  	[hbm:s14], [sflag:s0] =	dma.local @!p0 [spmem:s25], $0x80  }
.Ltmp3:
0xd2: {  	_ = 	snop;
	(pc) =	sbr.rel @p1 .LBB2_1-.Ltmp3, $4  }
0xd3: {  	s0 =	simm.s32 @!p0 $0x3  }
0xd4: {  	_ =	swait.ge @!p0 [sflag:s0], $0x80  }
0xd5: {  	[sflag:s0] =	ssyncset.done @!p0 $0x0  }
0xd6: {  	[sflag:s0] =	ssyncadd.s32 @!p0 $0xFFFFFF80  }
0xd7: {  	_ =	sfence.sel $0x180000  }
0xd8: {  	[bflag:$0x0] =	sbarrier.arrive $0xFFFF  }
0xd9: {  	_ =	strace $0x90000047  }
0xda: {  	s0 =	stileid.u32;
	[bflag:$0x2] =	sbarrier.arrive $0xFFFF  }
0xdb: {  	p0 =	sne.s32 s0, $0x0;
	s0 =	rddreg [dreg:$0x2]  }
0xdc: {  	s0 =	sadd.s32 @!p0 $0x100000, s0  }
0xdd: {  	[sflag:s0] =	ssyncadd.tile.s32 @!p0 $0x1;
	_ =	shalt  }
.Lfunc_end2:
_tile_overlayer_lowered:
.L_overlay_start_2:
0xde: {  	(tag) =	ssettag $0x2  }
0xdf: {  	s0 =	rddreg [dreg:$0x0];
	s2 =	stileid.u32  }
0xe0: {  	s1 =	rddreg [dreg:$0x1];
	p0 =	sne.s32 s2, $0x0  }
0xe1: {  	s3 =	rddreg [dreg:$0x2];
	[bflag:$0x3] =	sbarrier.arrive $0xFFFF;
	s2 =	simm.s32 @!p0 $0x1C03  }
0xe2: {  	[timem:s3], [sflag:s2] =	dma.local @!p0 [hbm:s0], s1  }
0xe3: {  	s0 =	simm.s32 @!p0 $0x3  }
0xe4: {  	_ =	swait.ge @!p0 [sflag:s0], s1  }
0xe5: {  	s1 =	ssub.s32 @!p0 $0x0, s1;
	[sflag:s0] =	ssyncset.done @!p0 $0x0  }
0xe6: {  	[sflag:s0] =	ssyncadd.s32 @!p0 s1  }
0xe7: {  	[bflag:$0x3] =	sbarrier.arrive $0xFFFF  }
0xe8: {  	_ =	shalt  }

</sc_bundles>
